<compile_context>
chip_gen: v7x
topology: tpu7x:2x2x1
jax: 0.10.2.dev20260603
libtpu: 0.0.44.dev20260713+nightly
codegen_flags: <defaults>
</compile_context>

<pallas_src>
import functools

import jax
import jax.numpy as jnp
from jax import lax
from jax.experimental import pallas as pl
from jax.experimental.pallas import tpu as pltpu
from jax.experimental.pallas import tpu_sc as plsc

N_ROWS = 50000
DIM = 1408
BLOCK = 2000
NB = N_ROWS // BLOCK
TOPK = 10
ALPHA = 0.8
NEG_INF = float("-inf")
INT_MAX = 2**31 - 1

_SC_INFO = plsc.get_sparse_core_info()
NC, NS, L = _SC_INFO.num_cores, _SC_INFO.num_subcores, _SC_INFO.num_lanes
NW = NC * NS
CHUNK = -(-N_ROWS // (NW * L)) * L
LAST = N_ROWS - (NW - 1) * CHUNK

_ACOS_COEFFS = (
    1.5707963050, -0.2145988016, 0.0889789874, -0.0501743046,
    0.0308918810, -0.0170881256, 0.0066700901, -0.0012624911,
)


def _acos(x):
    xa = jnp.abs(x)
    p = jnp.float32(_ACOS_COEFFS[-1])
    for c in _ACOS_COEFFS[-2::-1]:
        p = p * xa + jnp.float32(c)
    t = jnp.sqrt(jnp.maximum(1.0 - xa, 0.0)) * p
    return jnp.where(x >= 0.0, t, jnp.float32(3.14159265358979) - t)


def _stream_body(a_ref, b_ref, v_ref, sims_ref, q_s):
    i = pl.program_id(0)

    @pl.when(i == 0)
    def _compute_query():
        a = a_ref[...]
        b = b_ref[...]
        na = jnp.sqrt(jnp.sum(a * a))
        nb = jnp.sqrt(jnp.sum(b * b))
        ua = a / na
        ub = b / nb
        dot = jnp.clip(jnp.sum(ua * ub), -1.0, 1.0)
        theta = _acos(dot)
        st = jnp.sin(theta)
        st_safe = jnp.where(st == 0.0, 1.0, st)
        w_a = jnp.sin((1.0 - ALPHA) * theta) / st_safe
        w_b = jnp.sin(ALPHA * theta) / st_safe
        q = jnp.where(st == 0.0, a, w_a * a + w_b * b)
        qn = q / jnp.sqrt(jnp.sum(q * q))
        q_s[...] = jnp.broadcast_to(qn, (8, DIM))

    vb = v_ref[...]
    sq = jnp.sum(vb * vb, axis=1, keepdims=True)
    rinv = 1.0 / jnp.sqrt(sq)
    vnb = (vb * rinv).astype(jnp.bfloat16)
    qb = q_s[...].astype(jnp.bfloat16)
    dot = jax.lax.dot_general(
        qb, vnb, (((1,), (1,)), ((), ())),
        preferred_element_type=jnp.float32,
    )
    sims_ref[pl.ds(i, 1), :] = dot[0:1, :]


_SC_MESH = plsc.VectorSubcoreMesh(core_axis_name="c", subcore_axis_name="s")


@functools.partial(
    pl.kernel,
    mesh=_SC_MESH,
    out_type=[
        jax.ShapeDtypeStruct((NW, L), jnp.float32),
        jax.ShapeDtypeStruct((NW, L), jnp.int32),
        jax.ShapeDtypeStruct((NW, L), jnp.float32),
        jax.ShapeDtypeStruct((NW, L), jnp.int32),
    ],
    scratch_types=[
        pltpu.VMEM((CHUNK,), jnp.float32),
        pltpu.VMEM((L,), jnp.float32),
        pltpu.VMEM((L,), jnp.int32),
        pltpu.VMEM((L,), jnp.float32),
        pltpu.VMEM((L,), jnp.int32),
    ],
)
def _sc_topcand(sims_hbm, v1_hbm, i1_hbm, v2_hbm, i2_hbm,
                chunk_v, o_v1, o_i1, o_v2, o_i2):
    wid = lax.axis_index("s") * NC + lax.axis_index("c")
    base = wid * CHUNK

    @pl.when(wid != NW - 1)
    def _copy_full():
        pltpu.sync_copy(sims_hbm.at[pl.ds(base, CHUNK)], chunk_v)

    @pl.when(wid == NW - 1)
    def _copy_last():
        pltpu.sync_copy(sims_hbm.at[pl.ds(base, LAST)],
                        chunk_v.at[pl.ds(0, LAST)])

    n_vec = jnp.where(wid == NW - 1, LAST // L, CHUNK // L)

    def body(j, carry):
        m1, i1, m2, i2 = carry
        x = chunk_v[pl.ds(j * L, L)]
        xi = base + j * L + lax.iota(jnp.int32, L)
        c1 = x > m1
        c2 = x > m2
        nm2 = jnp.where(c1, m1, jnp.where(c2, x, m2))
        ni2 = jnp.where(c1, i1, jnp.where(c2, xi, i2))
        nm1 = jnp.where(c1, x, m1)
        ni1 = jnp.where(c1, xi, i1)
        return (nm1, ni1, nm2, ni2)

    neg = jnp.full((L,), NEG_INF, dtype=jnp.float32)
    zer = jnp.zeros((L,), dtype=jnp.int32)
    m1, i1, m2, i2 = lax.fori_loop(0, n_vec, body, (neg, zer, neg, zer))
    o_v1[...] = m1
    o_i1[...] = i1
    o_v2[...] = m2
    o_i2[...] = i2
    pltpu.sync_copy(o_v1, v1_hbm.at[wid])
    pltpu.sync_copy(o_i1, i1_hbm.at[wid])
    pltpu.sync_copy(o_v2, v2_hbm.at[wid])
    pltpu.sync_copy(o_i2, i2_hbm.at[wid])


def _final_body(cv1_ref, ci1_ref, cv2_ref, ci2_ref, vals_ref, idx_ref):
    s = jnp.concatenate([cv1_ref[...], cv2_ref[...]], axis=0)
    gi = jnp.concatenate([ci1_ref[...], ci2_ref[...]], axis=0)
    lane = jax.lax.broadcasted_iota(jnp.int32, (1, 128), 1)
    vals_acc = jnp.full((1, 128), NEG_INF, dtype=jnp.float32)
    idx_acc = jnp.zeros((1, 128), dtype=jnp.int32)
    for k in range(TOPK):
        m = jnp.max(s)
        cand = jnp.where(s == m, gi, INT_MAX)
        amin = jnp.min(cand)
        vals_acc = jnp.where(lane == k, m, vals_acc)
        idx_acc = jnp.where(lane == k, amin, idx_acc)
        s = jnp.where(gi == amin, NEG_INF, s)
    vals_ref[...] = vals_acc
    idx_ref[...] = idx_acc


@jax.jit
def kernel(emb_a, emb_b, video_embeddings):
    a2 = emb_a.reshape(1, DIM)
    b2 = emb_b.reshape(1, DIM)
    sims = pl.pallas_call(
        _stream_body,
        grid=(NB,),
        in_specs=[
            pl.BlockSpec((1, DIM), lambda i: (0, 0)),
            pl.BlockSpec((1, DIM), lambda i: (0, 0)),
            pl.BlockSpec((BLOCK, DIM), lambda i: (i, 0)),
        ],
        out_specs=pl.BlockSpec((NB, BLOCK), lambda i: (0, 0)),
        out_shape=jax.ShapeDtypeStruct((NB, BLOCK), jnp.float32),
        scratch_shapes=[pltpu.VMEM((8, DIM), jnp.float32)],
    )(a2, b2, video_embeddings)
    cv1, ci1, cv2, ci2 = _sc_topcand(sims.reshape(N_ROWS))
    vals, idx = pl.pallas_call(
        _final_body,
        out_shape=[
            jax.ShapeDtypeStruct((1, 128), jnp.float32),
            jax.ShapeDtypeStruct((1, 128), jnp.int32),
        ],
    )(cv1, ci1, cv2, ci2)
    return vals[0, :TOPK], idx[0, :TOPK]

# --- scband reference (transcript-rebuilt; emitter-appended) ---
"""Pipeline reference for scband-reranker-44994077393404 (READ-ONLY COPY).

The authoritative reference and input builder live on the scoring server;
editing this copy changes nothing except your own understanding.
"""

import jax, jax.numpy as jnp
import numpy as np


def _slerp(a, b, alpha):
    norm_a = jnp.linalg.norm(a)
    norm_b = jnp.linalg.norm(b)
    unit_a = a / norm_a
    unit_b = b / norm_b
    dot = jnp.clip(jnp.dot(unit_a, unit_b), -1.0, 1.0)
    theta = jnp.arccos(dot)
    sin_theta = jnp.sin(theta)
    w_a = jnp.sin((1.0 - alpha) * theta) / jnp.where(sin_theta == 0, 1.0, sin_theta)
    w_b = jnp.sin(alpha * theta) / jnp.where(sin_theta == 0, 1.0, sin_theta)
    interp = w_a * a + w_b * b
    return jnp.where(sin_theta == 0, a, interp)


def setup_inputs(seed: int = 0):
    key = jax.random.key(seed)
    k1, k2, k3 = jax.random.split(key, 3)
    emb_a = jax.random.normal(k1, (1408,), dtype=jnp.float32)
    emb_b = jax.random.normal(k2, (1408,), dtype=jnp.float32)
    video_embeddings = jax.random.normal(k3, (50000, 1408), dtype=jnp.float32)
    return {"emb_a": emb_a, "emb_b": emb_b, "video_embeddings": video_embeddings}


def reference(emb_a, emb_b, video_embeddings):
    # get_embedding_slerp: slerp-interpolate the stored embeddings (alpha=0.8)
    q = _slerp(emb_a, emb_b, 0.8)
    # rerank: cosine_similarity([text_embedding], video_embeddings)
    qn = q / jnp.linalg.norm(q)
    vn = video_embeddings / jnp.linalg.norm(video_embeddings, axis=1, keepdims=True)
    sims = vn @ qn  # [N]
    # np.argsort(-sims)[:k] with k=10 -> top-k by descending similarity
    top_vals, top_idx = jax.lax.top_k(sims, 10)
    return top_vals, top_idx

if __name__ == "__main__":
    import jax
    _d = setup_inputs()
    print(jax.jit(kernel)(*tuple(_d.values())))

</pallas_src>

<mosaic_0001>
#map = affine_map<(d0, d1) -> (0)>
#map1 = affine_map<(d0, d1) -> (0, 0)>
module attributes {stable_mosaic.version = 14 : i64} {
  func.func @_sc_topcand(%arg0: i32, %arg1: i32, %arg2: memref<50000xf32, #tpu.memory_space<hbm>>, %arg3: memref<32x16xf32, #tpu.memory_space<hbm>>, %arg4: memref<32x16xi32, #tpu.memory_space<hbm>>, %arg5: memref<32x16xf32, #tpu.memory_space<hbm>>, %arg6: memref<32x16xi32, #tpu.memory_space<hbm>>, %arg7: memref<1568xf32, #tpu.memory_space<vmem>>, %arg8: memref<16xf32, #tpu.memory_space<vmem>>, %arg9: memref<16xi32, #tpu.memory_space<vmem>>, %arg10: memref<16xf32, #tpu.memory_space<vmem>>, %arg11: memref<16xi32, #tpu.memory_space<vmem>>) attributes {dimension_semantics = [#tpu.dimension_semantics<core_parallel>, #tpu.dimension_semantics<subcore_parallel>], iteration_bounds = array<i64: 2, 16>, scalar_prefetch = 0 : i64, scratch_operands = 5 : i64, tpu.core_type = #tpu.core_type<sc_vector_subcore>, window_params = [{transform_indices = #map}, {transform_indices = #map1}, {transform_indices = #map1}, {transform_indices = #map1}, {transform_indices = #map1}]} {
    %mul3A = arith.constant 2 : i32
    %mul3A_0 = arith.muli %arg1, %mul3A : i32
    %add3A = arith.addi %mul3A_0, %arg0 : i32
    %mul3A_1 = arith.constant 1568 : i32
    %mul3A_2 = arith.muli %add3A, %mul3A_1 : i32
    %ne3A = arith.constant 31 : i32
    %ne3A_3 = arith.cmpi ne, %add3A, %ne3A : i32
    %convert_element_type3A = arith.extui %ne3A_3 : i1 to i32
    %cond3A = arith.constant 0 : i32
    %cond3A_4 = arith.cmpi ne, %convert_element_type3A, %cond3A : i32
    scf.if %cond3A_4 {
      "tpu.region"() ({
        %run_scoped3A = tpu.sem_alloc : memref<!tpu.dma_semaphore, #tpu.memory_space<semaphore_mem>>
        %dma_start3A = tpu.memref_slice %arg2[%mul3A_2] : memref<50000xf32, #tpu.memory_space<hbm>> -> memref<1568xf32, #tpu.memory_space<hbm>>
        %dma_start3A_40 = tpu.memref_slice %arg2[%mul3A_2] : memref<50000xf32, #tpu.memory_space<hbm>> -> memref<1568xf32, #tpu.memory_space<hbm>>
        tpu.enqueue_dma source(%dma_start3A_40 : memref<1568xf32, #tpu.memory_space<hbm>>) target(%arg7 : memref<1568xf32, #tpu.memory_space<vmem>>) target_semaphore(%run_scoped3A : memref<!tpu.dma_semaphore, #tpu.memory_space<semaphore_mem>>)
        %dma_wait3A = tpu.memref_slice %arg2[%mul3A_2] : memref<50000xf32, #tpu.memory_space<hbm>> -> memref<1568xf32, #tpu.memory_space<hbm>>
        %dma_wait3A_41 = tpu.memref_slice %arg2[%mul3A_2] : memref<50000xf32, #tpu.memory_space<hbm>> -> memref<1568xf32, #tpu.memory_space<hbm>>
        tpu.wait_dma2 semaphore(%run_scoped3A : memref<!tpu.dma_semaphore, #tpu.memory_space<semaphore_mem>>) src(%dma_wait3A_41 : memref<1568xf32, #tpu.memory_space<hbm>>) dst(%arg7 : memref<1568xf32, #tpu.memory_space<vmem>>)
        tpu.yield
      }) : () -> ()
    } else {
    }
    %eq3A = arith.constant 31 : i32
    %eq3A_5 = arith.cmpi eq, %add3A, %eq3A : i32
    %convert_element_type3A_6 = arith.extui %eq3A_5 : i1 to i32
    %cond3A_7 = arith.constant 0 : i32
    %cond3A_8 = arith.cmpi ne, %convert_element_type3A_6, %cond3A_7 : i32
    scf.if %cond3A_8 {
      "tpu.region"() ({
        %run_scoped3A = tpu.sem_alloc : memref<!tpu.dma_semaphore, #tpu.memory_space<semaphore_mem>>
        %dma_start3A = arith.constant 0 : i32
        %dma_start3A_40 = tpu.memref_slice %arg7[%dma_start3A] : memref<1568xf32, #tpu.memory_space<vmem>> -> memref<1392xf32, #tpu.memory_space<vmem>>
        %dma_start3A_41 = tpu.memref_slice %arg2[%mul3A_2] : memref<50000xf32, #tpu.memory_space<hbm>> -> memref<1392xf32, #tpu.memory_space<hbm>>
        %dma_start3A_42 = arith.constant 0 : i32
        %dma_start3A_43 = tpu.memref_slice %arg7[%dma_start3A_42] : memref<1568xf32, #tpu.memory_space<vmem>> -> memref<1392xf32, #tpu.memory_space<vmem>>
        %dma_start3A_44 = tpu.memref_slice %arg2[%mul3A_2] : memref<50000xf32, #tpu.memory_space<hbm>> -> memref<1392xf32, #tpu.memory_space<hbm>>
        tpu.enqueue_dma source(%dma_start3A_44 : memref<1392xf32, #tpu.memory_space<hbm>>) target(%dma_start3A_43 : memref<1392xf32, #tpu.memory_space<vmem>>) target_semaphore(%run_scoped3A : memref<!tpu.dma_semaphore, #tpu.memory_space<semaphore_mem>>)
        %dma_wait3A = arith.constant 0 : i32
        %dma_wait3A_45 = tpu.memref_slice %arg7[%dma_wait3A] : memref<1568xf32, #tpu.memory_space<vmem>> -> memref<1392xf32, #tpu.memory_space<vmem>>
        %dma_wait3A_46 = tpu.memref_slice %arg2[%mul3A_2] : memref<50000xf32, #tpu.memory_space<hbm>> -> memref<1392xf32, #tpu.memory_space<hbm>>
        %dma_wait3A_47 = arith.constant 0 : i32
        %dma_wait3A_48 = tpu.memref_slice %arg7[%dma_wait3A_47] : memref<1568xf32, #tpu.memory_space<vmem>> -> memref<1392xf32, #tpu.memory_space<vmem>>
        %dma_wait3A_49 = tpu.memref_slice %arg2[%mul3A_2] : memref<50000xf32, #tpu.memory_space<hbm>> -> memref<1392xf32, #tpu.memory_space<hbm>>
        tpu.wait_dma2 semaphore(%run_scoped3A : memref<!tpu.dma_semaphore, #tpu.memory_space<semaphore_mem>>) src(%dma_wait3A_49 : memref<1392xf32, #tpu.memory_space<hbm>>) dst(%dma_wait3A_48 : memref<1392xf32, #tpu.memory_space<vmem>>)
        tpu.yield
      }) : () -> ()
    } else {
    }
    %eq3A_9 = arith.constant 31 : i32
    %eq3A_10 = arith.cmpi eq, %add3A, %eq3A_9 : i32
    %jit3A = arith.constant 87 : i32
    %jit3A_11 = arith.constant 98 : i32
    %select_n3A = arith.select %eq3A_10, %jit3A, %jit3A_11 : i32
    %broadcast_in_dim3A = arith.constant 0xFF800000 : f32
    %broadcast_in_dim3A_12 = vector.broadcast %broadcast_in_dim3A : f32 to vector<16xf32>
    %broadcast_in_dim3A_13 = arith.constant 0 : i32
    %broadcast_in_dim3A_14 = vector.broadcast %broadcast_in_dim3A_13 : i32 to vector<16xi32>
    %while3A = arith.constant 0 : i32
    %while3A_15 = arith.subi %select_n3A, %while3A : i32
    %while3A_16 = arith.addi %while3A, %while3A_15 : i32
    %while3A_17 = arith.constant 1 : i32
    %while3A_18 = arith.divsi %while3A_15, %while3A_17 : i32
    %while3A_19 = arith.muli %while3A_18, %while3A_17 : i32
    %while3A_20 = arith.addi %while3A, %while3A_19 : i32
    %while3A_21 = arith.constant 1 : i32
    %while3A_22:4 = scf.for %while3A_40 = %while3A to %while3A_20 step %while3A_21 iter_args(%while3A_41 = %broadcast_in_dim3A_12, %while3A_42 = %broadcast_in_dim3A_14, %while3A_43 = %broadcast_in_dim3A_12, %while3A_44 = %broadcast_in_dim3A_14) -> (vector<16xf32>, vector<16xi32>, vector<16xf32>, vector<16xi32>)  : i32 {
      %mul3A_45 = arith.constant 16 : i32
      %mul3A_46 = arith.muli %while3A_40, %mul3A_45 : i32
      %get3A = arith.index_cast %mul3A_46 : i32 to index
      %get3A_47 = tpu.vector_load %arg7[%get3A] {strides = array<i32>} : memref<1568xf32, #tpu.memory_space<vmem>>, vector<16xf32>,
      %get3A_48 = vector.shape_cast %get3A_47 : vector<16xf32> to vector<16xf32>
      %mul3A_49 = arith.constant 16 : i32
      %mul3A_50 = arith.muli %while3A_40, %mul3A_49 : i32
      %add3A_51 = arith.addi %mul3A_2, %mul3A_50 : i32
      %iota3A = tpu.iota {dimensions = array<i32: 0>} : vector<16xi32>
      %add3A_52 = vector.broadcast %add3A_51 : i32 to vector<16xi32>
      %add3A_53 = arith.addi %add3A_52, %iota3A : vector<16xi32>
      %gt3A = arith.cmpf ogt, %get3A_48, %while3A_41 : vector<16xf32>
      %gt3A_54 = arith.cmpf ogt, %get3A_48, %while3A_43 : vector<16xf32>
      %select_n3A_55 = arith.select %gt3A_54, %get3A_48, %while3A_43 : vector<16xi1>, vector<16xf32>
      %select_n3A_56 = arith.select %gt3A, %while3A_41, %select_n3A_55 : vector<16xi1>, vector<16xf32>
      %select_n3A_57 = arith.select %gt3A_54, %add3A_53, %while3A_44 : vector<16xi1>, vector<16xi32>
      %select_n3A_58 = arith.select %gt3A, %while3A_42, %select_n3A_57 : vector<16xi1>, vector<16xi32>
      %select_n3A_59 = arith.select %gt3A, %get3A_48, %while3A_41 : vector<16xi1>, vector<16xf32>
      %select_n3A_60 = arith.select %gt3A, %add3A_53, %while3A_42 : vector<16xi1>, vector<16xi32>
      scf.yield %select_n3A_59, %select_n3A_60, %select_n3A_56, %select_n3A_58 : vector<16xf32>, vector<16xi32>, vector<16xf32>, vector<16xi32>
    }
    %while3A_23 = arith.constant 1 : i32
    %while3A_24:4 = scf.for %while3A_40 = %while3A_20 to %while3A_16 step %while3A_23 iter_args(%while3A_41 = %while3A_22#0, %while3A_42 = %while3A_22#1, %while3A_43 = %while3A_22#2, %while3A_44 = %while3A_22#3) -> (vector<16xf32>, vector<16xi32>, vector<16xf32>, vector<16xi32>)  : i32 {
      %mul3A_45 = arith.constant 16 : i32
      %mul3A_46 = arith.muli %while3A_40, %mul3A_45 : i32
      %get3A = arith.index_cast %mul3A_46 : i32 to index
      %get3A_47 = tpu.vector_load %arg7[%get3A] {strides = array<i32>} : memref<1568xf32, #tpu.memory_space<vmem>>, vector<16xf32>,
      %get3A_48 = vector.shape_cast %get3A_47 : vector<16xf32> to vector<16xf32>
      %mul3A_49 = arith.constant 16 : i32
      %mul3A_50 = arith.muli %while3A_40, %mul3A_49 : i32
      %add3A_51 = arith.addi %mul3A_2, %mul3A_50 : i32
      %iota3A = tpu.iota {dimensions = array<i32: 0>} : vector<16xi32>
      %add3A_52 = vector.broadcast %add3A_51 : i32 to vector<16xi32>
      %add3A_53 = arith.addi %add3A_52, %iota3A : vector<16xi32>
      %gt3A = arith.cmpf ogt, %get3A_48, %while3A_41 : vector<16xf32>
      %gt3A_54 = arith.cmpf ogt, %get3A_48, %while3A_43 : vector<16xf32>
      %select_n3A_55 = arith.select %gt3A_54, %get3A_48, %while3A_43 : vector<16xi1>, vector<16xf32>
      %select_n3A_56 = arith.select %gt3A, %while3A_41, %select_n3A_55 : vector<16xi1>, vector<16xf32>
      %select_n3A_57 = arith.select %gt3A_54, %add3A_53, %while3A_44 : vector<16xi1>, vector<16xi32>
      %select_n3A_58 = arith.select %gt3A, %while3A_42, %select_n3A_57 : vector<16xi1>, vector<16xi32>
      %select_n3A_59 = arith.select %gt3A, %get3A_48, %while3A_41 : vector<16xi1>, vector<16xf32>
      %select_n3A_60 = arith.select %gt3A, %add3A_53, %while3A_42 : vector<16xi1>, vector<16xi32>
      scf.yield %select_n3A_59, %select_n3A_60, %select_n3A_56, %select_n3A_58 : vector<16xf32>, vector<16xi32>, vector<16xf32>, vector<16xi32>
    }
    %swap3A = arith.constant 0 : index
    %swap3A_25 = tpu.vector_load %arg8[%swap3A] {strides = array<i32>} : memref<16xf32, #tpu.memory_space<vmem>>, vector<16xf32>,
    %swap3A_26 = vector.shape_cast %swap3A_25 : vector<16xf32> to vector<16xf32>
    %swap3A_27 = vector.shape_cast %while3A_24#0 : vector<16xf32> to vector<16xf32>
    tpu.vector_store %arg8[%swap3A], %swap3A_27 {strides = array<i32>} : memref<16xf32, #tpu.memory_space<vmem>>, vector<16xf32>,
    %swap3A_28 = arith.constant 0 : index
    %swap3A_29 = tpu.vector_load %arg9[%swap3A_28] {strides = array<i32>} : memref<16xi32, #tpu.memory_space<vmem>>, vector<16xi32>,
    %swap3A_30 = vector.shape_cast %swap3A_29 : vector<16xi32> to vector<16xi32>
    %swap3A_31 = vector.shape_cast %while3A_24#1 : vector<16xi32> to vector<16xi32>
    tpu.vector_store %arg9[%swap3A_28], %swap3A_31 {strides = array<i32>} : memref<16xi32, #tpu.memory_space<vmem>>, vector<16xi32>,
    %swap3A_32 = arith.constant 0 : index
    %swap3A_33 = tpu.vector_load %arg10[%swap3A_32] {strides = array<i32>} : memref<16xf32, #tpu.memory_space<vmem>>, vector<16xf32>,
    %swap3A_34 = vector.shape_cast %swap3A_33 : vector<16xf32> to vector<16xf32>
    %swap3A_35 = vector.shape_cast %while3A_24#2 : vector<16xf32> to vector<16xf32>
    tpu.vector_store %arg10[%swap3A_32], %swap3A_35 {strides = array<i32>} : memref<16xf32, #tpu.memory_space<vmem>>, vector<16xf32>,
    %swap3A_36 = arith.constant 0 : index
    %swap3A_37 = tpu.vector_load %arg11[%swap3A_36] {strides = array<i32>} : memref<16xi32, #tpu.memory_space<vmem>>, vector<16xi32>,
    %swap3A_38 = vector.shape_cast %swap3A_37 : vector<16xi32> to vector<16xi32>
    %swap3A_39 = vector.shape_cast %while3A_24#3 : vector<16xi32> to vector<16xi32>
    tpu.vector_store %arg11[%swap3A_36], %swap3A_39 {strides = array<i32>} : memref<16xi32, #tpu.memory_space<vmem>>, vector<16xi32>,
    "tpu.region"() ({
      %run_scoped3A = tpu.sem_alloc : memref<!tpu.dma_semaphore, #tpu.memory_space<semaphore_mem>>
      %dma_start3A = arith.constant 0 : i32
      %dma_start3A_40 = tpu.memref_slice %arg3[%add3A, %dma_start3A] : memref<32x16xf32, #tpu.memory_space<hbm>> -> memref<1x16xf32, #tpu.memory_space<hbm>>
      %dma_start3A_41 = tpu.memref_squeeze %dma_start3A_40 : memref<1x16xf32, #tpu.memory_space<hbm>> -> memref<16xf32, #tpu.memory_space<hbm>>
      %dma_start3A_42 = arith.constant 0 : i32
      %dma_start3A_43 = tpu.memref_slice %arg3[%add3A, %dma_start3A_42] : memref<32x16xf32, #tpu.memory_space<hbm>> -> memref<1x16xf32, #tpu.memory_space<hbm>>
      %dma_start3A_44 = tpu.memref_squeeze %dma_start3A_43 : memref<1x16xf32, #tpu.memory_space<hbm>> -> memref<16xf32, #tpu.memory_space<hbm>>
      tpu.enqueue_dma source(%arg8 : memref<16xf32, #tpu.memory_space<vmem>>) target(%dma_start3A_44 : memref<16xf32, #tpu.memory_space<hbm>>) target_semaphore(%run_scoped3A : memref<!tpu.dma_semaphore, #tpu.memory_space<semaphore_mem>>)
      %dma_wait3A = arith.constant 0 : i32
      %dma_wait3A_45 = tpu.memref_slice %arg3[%add3A, %dma_wait3A] : memref<32x16xf32, #tpu.memory_space<hbm>> -> memref<1x16xf32, #tpu.memory_space<hbm>>
      %dma_wait3A_46 = tpu.memref_squeeze %dma_wait3A_45 : memref<1x16xf32, #tpu.memory_space<hbm>> -> memref<16xf32, #tpu.memory_space<hbm>>
      %dma_wait3A_47 = arith.constant 0 : i32
      %dma_wait3A_48 = tpu.memref_slice %arg3[%add3A, %dma_wait3A_47] : memref<32x16xf32, #tpu.memory_space<hbm>> -> memref<1x16xf32, #tpu.memory_space<hbm>>
      %dma_wait3A_49 = tpu.memref_squeeze %dma_wait3A_48 : memref<1x16xf32, #tpu.memory_space<hbm>> -> memref<16xf32, #tpu.memory_space<hbm>>
      tpu.wait_dma2 semaphore(%run_scoped3A : memref<!tpu.dma_semaphore, #tpu.memory_space<semaphore_mem>>) src(%arg8 : memref<16xf32, #tpu.memory_space<vmem>>) dst(%dma_wait3A_49 : memref<16xf32, #tpu.memory_space<hbm>>)
      tpu.yield
    }) : () -> ()
    "tpu.region"() ({
      %run_scoped3A = tpu.sem_alloc : memref<!tpu.dma_semaphore, #tpu.memory_space<semaphore_mem>>
      %dma_start3A = arith.constant 0 : i32
      %dma_start3A_40 = tpu.memref_slice %arg4[%add3A, %dma_start3A] : memref<32x16xi32, #tpu.memory_space<hbm>> -> memref<1x16xi32, #tpu.memory_space<hbm>>
      %dma_start3A_41 = tpu.memref_squeeze %dma_start3A_40 : memref<1x16xi32, #tpu.memory_space<hbm>> -> memref<16xi32, #tpu.memory_space<hbm>>
      %dma_start3A_42 = arith.constant 0 : i32
      %dma_start3A_43 = tpu.memref_slice %arg4[%add3A, %dma_start3A_42] : memref<32x16xi32, #tpu.memory_space<hbm>> -> memref<1x16xi32, #tpu.memory_space<hbm>>
      %dma_start3A_44 = tpu.memref_squeeze %dma_start3A_43 : memref<1x16xi32, #tpu.memory_space<hbm>> -> memref<16xi32, #tpu.memory_space<hbm>>
      tpu.enqueue_dma source(%arg9 : memref<16xi32, #tpu.memory_space<vmem>>) target(%dma_start3A_44 : memref<16xi32, #tpu.memory_space<hbm>>) target_semaphore(%run_scoped3A : memref<!tpu.dma_semaphore, #tpu.memory_space<semaphore_mem>>)
      %dma_wait3A = arith.constant 0 : i32
      %dma_wait3A_45 = tpu.memref_slice %arg4[%add3A, %dma_wait3A] : memref<32x16xi32, #tpu.memory_space<hbm>> -> memref<1x16xi32, #tpu.memory_space<hbm>>
      %dma_wait3A_46 = tpu.memref_squeeze %dma_wait3A_45 : memref<1x16xi32, #tpu.memory_space<hbm>> -> memref<16xi32, #tpu.memory_space<hbm>>
      %dma_wait3A_47 = arith.constant 0 : i32
      %dma_wait3A_48 = tpu.memref_slice %arg4[%add3A, %dma_wait3A_47] : memref<32x16xi32, #tpu.memory_space<hbm>> -> memref<1x16xi32, #tpu.memory_space<hbm>>
      %dma_wait3A_49 = tpu.memref_squeeze %dma_wait3A_48 : memref<1x16xi32, #tpu.memory_space<hbm>> -> memref<16xi32, #tpu.memory_space<hbm>>
      tpu.wait_dma2 semaphore(%run_scoped3A : memref<!tpu.dma_semaphore, #tpu.memory_space<semaphore_mem>>) src(%arg9 : memref<16xi32, #tpu.memory_space<vmem>>) dst(%dma_wait3A_49 : memref<16xi32, #tpu.memory_space<hbm>>)
      tpu.yield
    }) : () -> ()
    "tpu.region"() ({
      %run_scoped3A = tpu.sem_alloc : memref<!tpu.dma_semaphore, #tpu.memory_space<semaphore_mem>>
      %dma_start3A = arith.constant 0 : i32
      %dma_start3A_40 = tpu.memref_slice %arg5[%add3A, %dma_start3A] : memref<32x16xf32, #tpu.memory_space<hbm>> -> memref<1x16xf32, #tpu.memory_space<hbm>>
      %dma_start3A_41 = tpu.memref_squeeze %dma_start3A_40 : memref<1x16xf32, #tpu.memory_space<hbm>> -> memref<16xf32, #tpu.memory_space<hbm>>
      %dma_start3A_42 = arith.constant 0 : i32
      %dma_start3A_43 = tpu.memref_slice %arg5[%add3A, %dma_start3A_42] : memref<32x16xf32, #tpu.memory_space<hbm>> -> memref<1x16xf32, #tpu.memory_space<hbm>>
      %dma_start3A_44 = tpu.memref_squeeze %dma_start3A_43 : memref<1x16xf32, #tpu.memory_space<hbm>> -> memref<16xf32, #tpu.memory_space<hbm>>
      tpu.enqueue_dma source(%arg10 : memref<16xf32, #tpu.memory_space<vmem>>) target(%dma_start3A_44 : memref<16xf32, #tpu.memory_space<hbm>>) target_semaphore(%run_scoped3A : memref<!tpu.dma_semaphore, #tpu.memory_space<semaphore_mem>>)
      %dma_wait3A = arith.constant 0 : i32
      %dma_wait3A_45 = tpu.memref_slice %arg5[%add3A, %dma_wait3A] : memref<32x16xf32, #tpu.memory_space<hbm>> -> memref<1x16xf32, #tpu.memory_space<hbm>>
      %dma_wait3A_46 = tpu.memref_squeeze %dma_wait3A_45 : memref<1x16xf32, #tpu.memory_space<hbm>> -> memref<16xf32, #tpu.memory_space<hbm>>
      %dma_wait3A_47 = arith.constant 0 : i32
      %dma_wait3A_48 = tpu.memref_slice %arg5[%add3A, %dma_wait3A_47] : memref<32x16xf32, #tpu.memory_space<hbm>> -> memref<1x16xf32, #tpu.memory_space<hbm>>
      %dma_wait3A_49 = tpu.memref_squeeze %dma_wait3A_48 : memref<1x16xf32, #tpu.memory_space<hbm>> -> memref<16xf32, #tpu.memory_space<hbm>>
      tpu.wait_dma2 semaphore(%run_scoped3A : memref<!tpu.dma_semaphore, #tpu.memory_space<semaphore_mem>>) src(%arg10 : memref<16xf32, #tpu.memory_space<vmem>>) dst(%dma_wait3A_49 : memref<16xf32, #tpu.memory_space<hbm>>)
      tpu.yield
    }) : () -> ()
    "tpu.region"() ({
      %run_scoped3A = tpu.sem_alloc : memref<!tpu.dma_semaphore, #tpu.memory_space<semaphore_mem>>
      %dma_start3A = arith.constant 0 : i32
      %dma_start3A_40 = tpu.memref_slice %arg6[%add3A, %dma_start3A] : memref<32x16xi32, #tpu.memory_space<hbm>> -> memref<1x16xi32, #tpu.memory_space<hbm>>
      %dma_start3A_41 = tpu.memref_squeeze %dma_start3A_40 : memref<1x16xi32, #tpu.memory_space<hbm>> -> memref<16xi32, #tpu.memory_space<hbm>>
      %dma_start3A_42 = arith.constant 0 : i32
      %dma_start3A_43 = tpu.memref_slice %arg6[%add3A, %dma_start3A_42] : memref<32x16xi32, #tpu.memory_space<hbm>> -> memref<1x16xi32, #tpu.memory_space<hbm>>
      %dma_start3A_44 = tpu.memref_squeeze %dma_start3A_43 : memref<1x16xi32, #tpu.memory_space<hbm>> -> memref<16xi32, #tpu.memory_space<hbm>>
      tpu.enqueue_dma source(%arg11 : memref<16xi32, #tpu.memory_space<vmem>>) target(%dma_start3A_44 : memref<16xi32, #tpu.memory_space<hbm>>) target_semaphore(%run_scoped3A : memref<!tpu.dma_semaphore, #tpu.memory_space<semaphore_mem>>)
      %dma_wait3A = arith.constant 0 : i32
      %dma_wait3A_45 = tpu.memref_slice %arg6[%add3A, %dma_wait3A] : memref<32x16xi32, #tpu.memory_space<hbm>> -> memref<1x16xi32, #tpu.memory_space<hbm>>
      %dma_wait3A_46 = tpu.memref_squeeze %dma_wait3A_45 : memref<1x16xi32, #tpu.memory_space<hbm>> -> memref<16xi32, #tpu.memory_space<hbm>>
      %dma_wait3A_47 = arith.constant 0 : i32
      %dma_wait3A_48 = tpu.memref_slice %arg6[%add3A, %dma_wait3A_47] : memref<32x16xi32, #tpu.memory_space<hbm>> -> memref<1x16xi32, #tpu.memory_space<hbm>>
      %dma_wait3A_49 = tpu.memref_squeeze %dma_wait3A_48 : memref<1x16xi32, #tpu.memory_space<hbm>> -> memref<16xi32, #tpu.memory_space<hbm>>
      tpu.wait_dma2 semaphore(%run_scoped3A : memref<!tpu.dma_semaphore, #tpu.memory_space<semaphore_mem>>) src(%arg11 : memref<16xi32, #tpu.memory_space<vmem>>) dst(%dma_wait3A_49 : memref<16xi32, #tpu.memory_space<hbm>>)
      tpu.yield
    }) : () -> ()
    return
  }
}

module attributes {stable_mosaic.version = 14 : i64} {
  func.func @_stream_body(%arg0: i32, %arg1: memref<1x1408xf32, #tpu.memory_space<vmem>>, %arg2: memref<1x1408xf32, #tpu.memory_space<vmem>>, %arg3: memref<2000x1408xf32, #tpu.memory_space<vmem>>, %arg4: memref<25x2000xf32, #tpu.memory_space<vmem>>, %arg5: memref<8x1408xf32, #tpu.memory_space<vmem>>) attributes {dimension_semantics = [#tpu.dimension_semantics<arbitrary>], iteration_bounds = array<i64: 25>, scalar_prefetch = 0 : i64, scratch_operands = 1 : i64, tpu.core_type = #tpu.core_type<tc>, window_params = [{pipeline_mode = #tpu.pipeline_mode<synchronous>, transform_indices = @transform_0, window_bounds = array<i64: 1, 1408>}, {pipeline_mode = #tpu.pipeline_mode<synchronous>, transform_indices = @transform_1, window_bounds = array<i64: 1, 1408>}, {transform_indices = @transform_2, window_bounds = array<i64: 2000, 1408>}, {pipeline_mode = #tpu.pipeline_mode<synchronous>, transform_indices = @transform_3, window_bounds = array<i64: 25, 2000>}]} {
    %eq3A = arith.constant 0 : i32
    %eq3A_0 = arith.cmpi eq, %arg0, %eq3A : i32
    %convert_element_type3A = arith.extui %eq3A_0 : i1 to i32
    %cond3A = arith.constant 0 : i32
    %cond3A_1 = arith.cmpi ne, %convert_element_type3A, %cond3A : i32
    scf.if %cond3A_1 {
      %get3A_17 = arith.constant 0 : index
      %get3A_18 = arith.constant 0 : index
      %get3A_19 = vector.load %arg1[%get3A_17, %get3A_18] : memref<1x1408xf32, #tpu.memory_space<vmem>>, vector<1x1408xf32>
      %get3A_20 = arith.constant 0 : index
      %get3A_21 = arith.constant 0 : index
      %get3A_22 = vector.load %arg2[%get3A_20, %get3A_21] : memref<1x1408xf32, #tpu.memory_space<vmem>>, vector<1x1408xf32>
      %mul3A_23 = arith.mulf %get3A_19, %get3A_19 : vector<1x1408xf32>
      %reduce_sum3A_24 = vector.shape_cast %mul3A_23 : vector<1x1408xf32> to vector<1x1x1408xf32>
      %reduce_sum3A_25 = arith.constant dense<0.000000e+00> : vector<1xf32>
      %reduce_sum3A_26 = vector.multi_reduction <add>, %reduce_sum3A_24, %reduce_sum3A_25 [1, 2] : vector<1x1x1408xf32> to vector<1xf32>
      %reduce_sum3A_27 = vector.shape_cast %reduce_sum3A_26 : vector<1xf32> to vector<1x1x1xf32>
      %reduce_sum3A_28 = vector.extract %reduce_sum3A_27[0, 0, 0] : f32 from vector<1x1x1xf32>
      %sqrt3A_29 = math.sqrt %reduce_sum3A_28 : f32
      %mul3A_30 = arith.mulf %get3A_22, %get3A_22 : vector<1x1408xf32>
      %reduce_sum3A_31 = vector.shape_cast %mul3A_30 : vector<1x1408xf32> to vector<1x1x1408xf32>
      %reduce_sum3A_32 = arith.constant dense<0.000000e+00> : vector<1xf32>
      %reduce_sum3A_33 = vector.multi_reduction <add>, %reduce_sum3A_31, %reduce_sum3A_32 [1, 2] : vector<1x1x1408xf32> to vector<1xf32>
      %reduce_sum3A_34 = vector.shape_cast %reduce_sum3A_33 : vector<1xf32> to vector<1x1x1xf32>
      %reduce_sum3A_35 = vector.extract %reduce_sum3A_34[0, 0, 0] : f32 from vector<1x1x1xf32>
      %sqrt3A_36 = math.sqrt %reduce_sum3A_35 : f32
      %div3A_37 = vector.broadcast %sqrt3A_29 : f32 to vector<1x1408xf32>
      %div3A_38 = arith.divf %get3A_19, %div3A_37 : vector<1x1408xf32>
      %div3A_39 = vector.broadcast %sqrt3A_36 : f32 to vector<1x1408xf32>
      %div3A_40 = arith.divf %get3A_22, %div3A_39 : vector<1x1408xf32>
      %mul3A_41 = arith.mulf %div3A_38, %div3A_40 : vector<1x1408xf32>
      %reduce_sum3A_42 = vector.shape_cast %mul3A_41 : vector<1x1408xf32> to vector<1x1x1408xf32>
      %reduce_sum3A_43 = arith.constant dense<0.000000e+00> : vector<1xf32>
      %reduce_sum3A_44 = vector.multi_reduction <add>, %reduce_sum3A_42, %reduce_sum3A_43 [1, 2] : vector<1x1x1408xf32> to vector<1xf32>
      %reduce_sum3A_45 = vector.shape_cast %reduce_sum3A_44 : vector<1xf32> to vector<1x1x1xf32>
      %reduce_sum3A_46 = vector.extract %reduce_sum3A_45[0, 0, 0] : f32 from vector<1x1x1xf32>
      %jit3A = arith.constant -1.000000e+00 : f32
      %jit3A_47 = arith.constant 1.000000e+00 : f32
      %max3A = arith.maximumf %jit3A, %reduce_sum3A_46 : f32
      %min3A = arith.minimumf %jit3A_47, %max3A : f32
      %abs3A = math.absf %min3A : f32
      %mul3A_48 = arith.constant -0.0012624911 : f32
      %mul3A_49 = arith.mulf %mul3A_48, %abs3A : f32
      %add3A = arith.constant 6.670090e-03 : f32
      %add3A_50 = arith.addf %mul3A_49, %add3A : f32
      %mul3A_51 = arith.mulf %add3A_50, %abs3A : f32
      %add3A_52 = arith.constant -0.0170881264 : f32
      %add3A_53 = arith.addf %mul3A_51, %add3A_52 : f32
      %mul3A_54 = arith.mulf %add3A_53, %abs3A : f32
      %add3A_55 = arith.constant 0.0308918804 : f32
      %add3A_56 = arith.addf %mul3A_54, %add3A_55 : f32
      %mul3A_57 = arith.mulf %add3A_56, %abs3A : f32
      %add3A_58 = arith.constant -0.0501743034 : f32
      %add3A_59 = arith.addf %mul3A_57, %add3A_58 : f32
      %mul3A_60 = arith.mulf %add3A_59, %abs3A : f32
      %add3A_61 = arith.constant 0.0889789909 : f32
      %add3A_62 = arith.addf %mul3A_60, %add3A_61 : f32
      %mul3A_63 = arith.mulf %add3A_62, %abs3A : f32
      %add3A_64 = arith.constant -0.214598805 : f32
      %add3A_65 = arith.addf %mul3A_63, %add3A_64 : f32
      %mul3A_66 = arith.mulf %add3A_65, %abs3A : f32
      %add3A_67 = arith.constant 1.57079625 : f32
      %add3A_68 = arith.addf %mul3A_66, %add3A_67 : f32
      %sub3A = arith.constant 1.000000e+00 : f32
      %sub3A_69 = arith.subf %sub3A, %abs3A : f32
      %max3A_70 = arith.constant 0.000000e+00 : f32
      %max3A_71 = arith.maximumf %sub3A_69, %max3A_70 : f32
      %sqrt3A_72 = math.sqrt %max3A_71 : f32
      %mul3A_73 = arith.mulf %sqrt3A_72, %add3A_68 : f32
      %ge3A = arith.constant 0.000000e+00 : f32
      %ge3A_74 = arith.cmpf oge, %min3A, %ge3A : f32
      %sub3A_75 = arith.constant 3.14159274 : f32
      %sub3A_76 = arith.subf %sub3A_75, %mul3A_73 : f32
      %select_n3A = arith.select %ge3A_74, %mul3A_73, %sub3A_76 : f32
      %sin3A = math.sin %select_n3A : f32
      %eq3A_77 = arith.constant 0.000000e+00 : f32
      %eq3A_78 = arith.cmpf oeq, %sin3A, %eq3A_77 : f32
      %jit3A_79 = arith.constant 1.000000e+00 : f32
      %select_n3A_80 = arith.select %eq3A_78, %jit3A_79, %sin3A : f32
      %mul3A_81 = arith.constant 2.000000e-01 : f32
      %mul3A_82 = arith.mulf %mul3A_81, %select_n3A : f32
      %sin3A_83 = math.sin %mul3A_82 : f32
      %div3A_84 = arith.divf %sin3A_83, %select_n3A_80 : f32
      %mul3A_85 = arith.constant 8.000000e-01 : f32
      %mul3A_86 = arith.mulf %mul3A_85, %select_n3A : f32
      %sin3A_87 = math.sin %mul3A_86 : f32
      %div3A_88 = arith.divf %sin3A_87, %select_n3A_80 : f32
      %eq3A_89 = arith.constant 0.000000e+00 : f32
      %eq3A_90 = arith.cmpf oeq, %sin3A, %eq3A_89 : f32
      %mul3A_91 = vector.broadcast %div3A_84 : f32 to vector<1x1408xf32>
      %mul3A_92 = arith.mulf %mul3A_91, %get3A_19 : vector<1x1408xf32>
      %mul3A_93 = vector.broadcast %div3A_88 : f32 to vector<1x1408xf32>
      %mul3A_94 = arith.mulf %mul3A_93, %get3A_22 : vector<1x1408xf32>
      %add3A_95 = arith.addf %mul3A_92, %mul3A_94 : vector<1x1408xf32>
      %select_n3A_96 = arith.select %eq3A_90, %get3A_19, %add3A_95 : vector<1x1408xf32>
      %mul3A_97 = arith.mulf %select_n3A_96, %select_n3A_96 : vector<1x1408xf32>
      %reduce_sum3A_98 = vector.shape_cast %mul3A_97 : vector<1x1408xf32> to vector<1x1x1408xf32>
      %reduce_sum3A_99 = arith.constant dense<0.000000e+00> : vector<1xf32>
      %reduce_sum3A_100 = vector.multi_reduction <add>, %reduce_sum3A_98, %reduce_sum3A_99 [1, 2] : vector<1x1x1408xf32> to vector<1xf32>
      %reduce_sum3A_101 = vector.shape_cast %reduce_sum3A_100 : vector<1xf32> to vector<1x1x1xf32>
      %reduce_sum3A_102 = vector.extract %reduce_sum3A_101[0, 0, 0] : f32 from vector<1x1x1xf32>
      %sqrt3A_103 = math.sqrt %reduce_sum3A_102 : f32
      %div3A_104 = vector.broadcast %sqrt3A_103 : f32 to vector<1x1408xf32>
      %div3A_105 = arith.divf %select_n3A_96, %div3A_104 : vector<1x1408xf32>
      %broadcast_in_dim3A_106 = vector.shape_cast %div3A_105 : vector<1x1408xf32> to vector<1x1408xf32>
      %broadcast_in_dim3A_107 = vector.broadcast %broadcast_in_dim3A_106 : vector<1x1408xf32> to vector<8x1408xf32>
      %swap3A_108 = arith.constant 0 : index
      %swap3A_109 = arith.constant 0 : index
      %swap3A_110 = vector.load %arg5[%swap3A_108, %swap3A_109] : memref<8x1408xf32, #tpu.memory_space<vmem>>, vector<8x1408xf32>
      tpu.vector_store %arg5[%swap3A_108, %swap3A_109], %broadcast_in_dim3A_107 {strides = array<i32>} : memref<8x1408xf32, #tpu.memory_space<vmem>>, vector<8x1408xf32>,
    } else {
    }
    %get3A = arith.constant 0 : index
    %get3A_2 = arith.constant 0 : index
    %get3A_3 = vector.load %arg3[%get3A, %get3A_2] : memref<2000x1408xf32, #tpu.memory_space<vmem>>, vector<2000x1408xf32>
    %mul3A = arith.mulf %get3A_3, %get3A_3 : vector<2000x1408xf32>
    %reduce_sum3A = arith.constant dense<0.000000e+00> : vector<2000xf32>
    %reduce_sum3A_4 = vector.multi_reduction <add>, %mul3A, %reduce_sum3A [1] : vector<2000x1408xf32> to vector<2000xf32>
    %broadcast_in_dim3A = vector.shape_cast %reduce_sum3A_4 : vector<2000xf32> to vector<2000x1xf32>
    %sqrt3A = math.sqrt %broadcast_in_dim3A : vector<2000x1xf32>
    %div3A = arith.constant 1.000000e+00 : f32
    %div3A_5 = vector.broadcast %div3A : f32 to vector<2000x1xf32>
    %div3A_6 = arith.divf %div3A_5, %sqrt3A : vector<2000x1xf32>
    %mul3A_7 = vector.broadcast %div3A_6 : vector<2000x1xf32> to vector<2000x1408xf32>
    %mul3A_8 = arith.mulf %get3A_3, %mul3A_7 : vector<2000x1408xf32>
    %convert_element_type3A_9 = arith.truncf %mul3A_8 : vector<2000x1408xf32> to vector<2000x1408xbf16>
    %get3A_10 = arith.constant 0 : index
    %get3A_11 = arith.constant 0 : index
    %get3A_12 = vector.load %arg5[%get3A_10, %get3A_11] : memref<8x1408xf32, #tpu.memory_space<vmem>>, vector<8x1408xf32>
    %convert_element_type3A_13 = arith.truncf %get3A_12 : vector<8x1408xf32> to vector<8x1408xbf16>
    %dot_general3A = arith.constant dense<0.000000e+00> : vector<8x2000xf32>
    %dot_general3A_14 = tpu.matmul %convert_element_type3A_13, %convert_element_type3A_9, %dot_general3A {dimension_numbers = #tpu.dot_dimension_numbers<[1], [1], [0], [0], [0, 0, 1, 0], [], []>, transpose_lhs_hint = false} : vector<8x1408xbf16>, vector<2000x1408xbf16>, vector<8x2000xf32> -> vector<8x2000xf32>
    %slice3A = vector.extract_strided_slice %dot_general3A_14 {offsets = [0, 0], sizes = [1, 2000], strides = [1, 1]} : vector<8x2000xf32> to vector<1x2000xf32>
    %swap3A = arith.index_cast %arg0 : i32 to index
    %swap3A_15 = arith.constant 0 : index
    %swap3A_16 = vector.load %arg4[%swap3A, %swap3A_15] : memref<25x2000xf32, #tpu.memory_space<vmem>>, vector<1x2000xf32>
    tpu.vector_store %arg4[%swap3A, %swap3A_15], %slice3A {strides = array<i32>} : memref<25x2000xf32, #tpu.memory_space<vmem>>, vector<1x2000xf32>,
    return
  }
  func.func @transform_0(%arg0: i32) -> (i32, i32) {
    %c0_i32 = arith.constant 0 : i32
    %c0_i32_0 = arith.constant 0 : i32
    %c0_i32_1 = arith.constant 0 : i32
    return %c0_i32, %c0_i32_0 : i32, i32
  }
  func.func @transform_1(%arg0: i32) -> (i32, i32) {
    %c0_i32 = arith.constant 0 : i32
    %c0_i32_0 = arith.constant 0 : i32
    %c0_i32_1 = arith.constant 0 : i32
    return %c0_i32, %c0_i32_0 : i32, i32
  }
  func.func @transform_2(%arg0: i32) -> (i32, i32) {
    %c0_i32 = arith.constant 0 : i32
    %c0_i32_0 = arith.constant 0 : i32
    return %arg0, %c0_i32 : i32, i32
  }
  func.func @transform_3(%arg0: i32) -> (i32, i32) {
    %c0_i32 = arith.constant 0 : i32
    %c0_i32_0 = arith.constant 0 : i32
    %c0_i32_1 = arith.constant 0 : i32
    return %c0_i32, %c0_i32_0 : i32, i32
  }
}

module attributes {stable_mosaic.version = 14 : i64} {
  func.func @_final_body(%arg0: memref<32x16xf32, #tpu.memory_space<vmem>>, %arg1: memref<32x16xi32, #tpu.memory_space<vmem>>, %arg2: memref<32x16xf32, #tpu.memory_space<vmem>>, %arg3: memref<32x16xi32, #tpu.memory_space<vmem>>, %arg4: memref<1x128xf32, #tpu.memory_space<vmem>>, %arg5: memref<1x128xi32, #tpu.memory_space<vmem>>) attributes {dimension_semantics = [], scalar_prefetch = 0 : i64, scratch_operands = 0 : i64, tpu.core_type = #tpu.core_type<tc>} {
    %get3A = arith.constant 0 : index
    %get3A_0 = arith.constant 0 : index
    %get3A_1 = vector.load %arg0[%get3A, %get3A_0] : memref<32x16xf32, #tpu.memory_space<vmem>>, vector<32x16xf32>
    %get3A_2 = arith.constant 0 : index
    %get3A_3 = arith.constant 0 : index
    %get3A_4 = vector.load %arg2[%get3A_2, %get3A_3] : memref<32x16xf32, #tpu.memory_space<vmem>>, vector<32x16xf32>
    %concatenate3A = tpu.concatenate %get3A_1, %get3A_4 in 0 : vector<32x16xf32>, vector<32x16xf32> -> vector<64x16xf32>
    %get3A_5 = arith.constant 0 : index
    %get3A_6 = arith.constant 0 : index
    %get3A_7 = vector.load %arg1[%get3A_5, %get3A_6] : memref<32x16xi32, #tpu.memory_space<vmem>>, vector<32x16xi32>
    %get3A_8 = arith.constant 0 : index
    %get3A_9 = arith.constant 0 : index
    %get3A_10 = vector.load %arg3[%get3A_8, %get3A_9] : memref<32x16xi32, #tpu.memory_space<vmem>>, vector<32x16xi32>
    %concatenate3A_11 = tpu.concatenate %get3A_7, %get3A_10 in 0 : vector<32x16xi32>, vector<32x16xi32> -> vector<64x16xi32>
    %iota3A = tpu.iota {dimensions = array<i32: 1>} : vector<1x128xi32>
    %broadcast_in_dim3A = arith.constant 0xFF800000 : f32
    %broadcast_in_dim3A_12 = vector.broadcast %broadcast_in_dim3A : f32 to vector<1x128xf32>
    %broadcast_in_dim3A_13 = arith.constant 0 : i32
    %broadcast_in_dim3A_14 = vector.broadcast %broadcast_in_dim3A_13 : i32 to vector<1x128xi32>
    %reduce_max3A = vector.shape_cast %concatenate3A : vector<64x16xf32> to vector<1x64x16xf32>
    %reduce_max3A_15 = arith.constant dense<0xFF800000> : vector<1xf32>
    %reduce_max3A_16 = vector.multi_reduction <maximumf>, %reduce_max3A, %reduce_max3A_15 [1, 2] : vector<1x64x16xf32> to vector<1xf32>
    %reduce_max3A_17 = vector.shape_cast %reduce_max3A_16 : vector<1xf32> to vector<1x1x1xf32>
    %reduce_max3A_18 = vector.extract %reduce_max3A_17[0, 0, 0] : f32 from vector<1x1x1xf32>
    %eq3A = vector.broadcast %reduce_max3A_18 : f32 to vector<64x16xf32>
    %eq3A_19 = arith.cmpf oeq, %concatenate3A, %eq3A : vector<64x16xf32>
    %jit3A = arith.constant 2147483647 : i32
    %broadcast_in_dim3A_20 = vector.broadcast %jit3A : i32 to vector<64x16xi32>
    %select_n3A = arith.select %eq3A_19, %concatenate3A_11, %broadcast_in_dim3A_20 : vector<64x16xi1>, vector<64x16xi32>
    %reduce_min3A = vector.shape_cast %select_n3A : vector<64x16xi32> to vector<1x64x16xi32>
    %reduce_min3A_21 = arith.constant dense<2147483647> : vector<1xi32>
    %reduce_min3A_22 = vector.multi_reduction <minsi>, %reduce_min3A, %reduce_min3A_21 [1, 2] : vector<1x64x16xi32> to vector<1xi32>
    %reduce_min3A_23 = vector.shape_cast %reduce_min3A_22 : vector<1xi32> to vector<1x1x1xi32>
    %reduce_min3A_24 = vector.extract %reduce_min3A_23[0, 0, 0] : i32 from vector<1x1x1xi32>
    %eq3A_25 = arith.constant 0 : i32
    %eq3A_26 = vector.broadcast %eq3A_25 : i32 to vector<1x128xi32>
    %eq3A_27 = arith.cmpi eq, %iota3A, %eq3A_26 : vector<1x128xi32>
    %broadcast_in_dim3A_28 = vector.broadcast %reduce_max3A_18 : f32 to vector<1x128xf32>
    %select_n3A_29 = arith.select %eq3A_27, %broadcast_in_dim3A_28, %broadcast_in_dim3A_12 : vector<1x128xi1>, vector<1x128xf32>
    %eq3A_30 = arith.constant 0 : i32
    %eq3A_31 = vector.broadcast %eq3A_30 : i32 to vector<1x128xi32>
    %eq3A_32 = arith.cmpi eq, %iota3A, %eq3A_31 : vector<1x128xi32>
    %broadcast_in_dim3A_33 = vector.broadcast %reduce_min3A_24 : i32 to vector<1x128xi32>
    %select_n3A_34 = arith.select %eq3A_32, %broadcast_in_dim3A_33, %broadcast_in_dim3A_14 : vector<1x128xi1>, vector<1x128xi32>
    %eq3A_35 = vector.broadcast %reduce_min3A_24 : i32 to vector<64x16xi32>
    %eq3A_36 = arith.cmpi eq, %concatenate3A_11, %eq3A_35 : vector<64x16xi32>
    %jit3A_37 = arith.constant 0xFF800000 : f32
    %broadcast_in_dim3A_38 = vector.broadcast %jit3A_37 : f32 to vector<64x16xf32>
    %select_n3A_39 = arith.select %eq3A_36, %broadcast_in_dim3A_38, %concatenate3A : vector<64x16xi1>, vector<64x16xf32>
    %reduce_max3A_40 = vector.shape_cast %select_n3A_39 : vector<64x16xf32> to vector<1x64x16xf32>
    %reduce_max3A_41 = arith.constant dense<0xFF800000> : vector<1xf32>
    %reduce_max3A_42 = vector.multi_reduction <maximumf>, %reduce_max3A_40, %reduce_max3A_41 [1, 2] : vector<1x64x16xf32> to vector<1xf32>
    %reduce_max3A_43 = vector.shape_cast %reduce_max3A_42 : vector<1xf32> to vector<1x1x1xf32>
    %reduce_max3A_44 = vector.extract %reduce_max3A_43[0, 0, 0] : f32 from vector<1x1x1xf32>
    %eq3A_45 = vector.broadcast %reduce_max3A_44 : f32 to vector<64x16xf32>
    %eq3A_46 = arith.cmpf oeq, %select_n3A_39, %eq3A_45 : vector<64x16xf32>
    %jit3A_47 = arith.constant 2147483647 : i32
    %broadcast_in_dim3A_48 = vector.broadcast %jit3A_47 : i32 to vector<64x16xi32>
    %select_n3A_49 = arith.select %eq3A_46, %concatenate3A_11, %broadcast_in_dim3A_48 : vector<64x16xi1>, vector<64x16xi32>
    %reduce_min3A_50 = vector.shape_cast %select_n3A_49 : vector<64x16xi32> to vector<1x64x16xi32>
    %reduce_min3A_51 = arith.constant dense<2147483647> : vector<1xi32>
    %reduce_min3A_52 = vector.multi_reduction <minsi>, %reduce_min3A_50, %reduce_min3A_51 [1, 2] : vector<1x64x16xi32> to vector<1xi32>
    %reduce_min3A_53 = vector.shape_cast %reduce_min3A_52 : vector<1xi32> to vector<1x1x1xi32>
    %reduce_min3A_54 = vector.extract %reduce_min3A_53[0, 0, 0] : i32 from vector<1x1x1xi32>
    %eq3A_55 = arith.constant 1 : i32
    %eq3A_56 = vector.broadcast %eq3A_55 : i32 to vector<1x128xi32>
    %eq3A_57 = arith.cmpi eq, %iota3A, %eq3A_56 : vector<1x128xi32>
    %broadcast_in_dim3A_58 = vector.broadcast %reduce_max3A_44 : f32 to vector<1x128xf32>
    %select_n3A_59 = arith.select %eq3A_57, %broadcast_in_dim3A_58, %select_n3A_29 : vector<1x128xi1>, vector<1x128xf32>
    %eq3A_60 = arith.constant 1 : i32
    %eq3A_61 = vector.broadcast %eq3A_60 : i32 to vector<1x128xi32>
    %eq3A_62 = arith.cmpi eq, %iota3A, %eq3A_61 : vector<1x128xi32>
    %broadcast_in_dim3A_63 = vector.broadcast %reduce_min3A_54 : i32 to vector<1x128xi32>
    %select_n3A_64 = arith.select %eq3A_62, %broadcast_in_dim3A_63, %select_n3A_34 : vector<1x128xi1>, vector<1x128xi32>
    %eq3A_65 = vector.broadcast %reduce_min3A_54 : i32 to vector<64x16xi32>
    %eq3A_66 = arith.cmpi eq, %concatenate3A_11, %eq3A_65 : vector<64x16xi32>
    %jit3A_67 = arith.constant 0xFF800000 : f32
    %broadcast_in_dim3A_68 = vector.broadcast %jit3A_67 : f32 to vector<64x16xf32>
    %select_n3A_69 = arith.select %eq3A_66, %broadcast_in_dim3A_68, %select_n3A_39 : vector<64x16xi1>, vector<64x16xf32>
    %reduce_max3A_70 = vector.shape_cast %select_n3A_69 : vector<64x16xf32> to vector<1x64x16xf32>
    %reduce_max3A_71 = arith.constant dense<0xFF800000> : vector<1xf32>
    %reduce_max3A_72 = vector.multi_reduction <maximumf>, %reduce_max3A_70, %reduce_max3A_71 [1, 2] : vector<1x64x16xf32> to vector<1xf32>
    %reduce_max3A_73 = vector.shape_cast %reduce_max3A_72 : vector<1xf32> to vector<1x1x1xf32>
    %reduce_max3A_74 = vector.extract %reduce_max3A_73[0, 0, 0] : f32 from vector<1x1x1xf32>
    %eq3A_75 = vector.broadcast %reduce_max3A_74 : f32 to vector<64x16xf32>
    %eq3A_76 = arith.cmpf oeq, %select_n3A_69, %eq3A_75 : vector<64x16xf32>
    %jit3A_77 = arith.constant 2147483647 : i32
    %broadcast_in_dim3A_78 = vector.broadcast %jit3A_77 : i32 to vector<64x16xi32>
    %select_n3A_79 = arith.select %eq3A_76, %concatenate3A_11, %broadcast_in_dim3A_78 : vector<64x16xi1>, vector<64x16xi32>
    %reduce_min3A_80 = vector.shape_cast %select_n3A_79 : vector<64x16xi32> to vector<1x64x16xi32>
    %reduce_min3A_81 = arith.constant dense<2147483647> : vector<1xi32>
    %reduce_min3A_82 = vector.multi_reduction <minsi>, %reduce_min3A_80, %reduce_min3A_81 [1, 2] : vector<1x64x16xi32> to vector<1xi32>
    %reduce_min3A_83 = vector.shape_cast %reduce_min3A_82 : vector<1xi32> to vector<1x1x1xi32>
    %reduce_min3A_84 = vector.extract %reduce_min3A_83[0, 0, 0] : i32 from vector<1x1x1xi32>
    %eq3A_85 = arith.constant 2 : i32
    %eq3A_86 = vector.broadcast %eq3A_85 : i32 to vector<1x128xi32>
    %eq3A_87 = arith.cmpi eq, %iota3A, %eq3A_86 : vector<1x128xi32>
    %broadcast_in_dim3A_88 = vector.broadcast %reduce_max3A_74 : f32 to vector<1x128xf32>
    %select_n3A_89 = arith.select %eq3A_87, %broadcast_in_dim3A_88, %select_n3A_59 : vector<1x128xi1>, vector<1x128xf32>
    %eq3A_90 = arith.constant 2 : i32
    %eq3A_91 = vector.broadcast %eq3A_90 : i32 to vector<1x128xi32>
    %eq3A_92 = arith.cmpi eq, %iota3A, %eq3A_91 : vector<1x128xi32>
    %broadcast_in_dim3A_93 = vector.broadcast %reduce_min3A_84 : i32 to vector<1x128xi32>
    %select_n3A_94 = arith.select %eq3A_92, %broadcast_in_dim3A_93, %select_n3A_64 : vector<1x128xi1>, vector<1x128xi32>
    %eq3A_95 = vector.broadcast %reduce_min3A_84 : i32 to vector<64x16xi32>
    %eq3A_96 = arith.cmpi eq, %concatenate3A_11, %eq3A_95 : vector<64x16xi32>
    %jit3A_97 = arith.constant 0xFF800000 : f32
    %broadcast_in_dim3A_98 = vector.broadcast %jit3A_97 : f32 to vector<64x16xf32>
    %select_n3A_99 = arith.select %eq3A_96, %broadcast_in_dim3A_98, %select_n3A_69 : vector<64x16xi1>, vector<64x16xf32>
    %reduce_max3A_100 = vector.shape_cast %select_n3A_99 : vector<64x16xf32> to vector<1x64x16xf32>
    %reduce_max3A_101 = arith.constant dense<0xFF800000> : vector<1xf32>
    %reduce_max3A_102 = vector.multi_reduction <maximumf>, %reduce_max3A_100, %reduce_max3A_101 [1, 2] : vector<1x64x16xf32> to vector<1xf32>
    %reduce_max3A_103 = vector.shape_cast %reduce_max3A_102 : vector<1xf32> to vector<1x1x1xf32>
    %reduce_max3A_104 = vector.extract %reduce_max3A_103[0, 0, 0] : f32 from vector<1x1x1xf32>
    %eq3A_105 = vector.broadcast %reduce_max3A_104 : f32 to vector<64x16xf32>
    %eq3A_106 = arith.cmpf oeq, %select_n3A_99, %eq3A_105 : vector<64x16xf32>
    %jit3A_107 = arith.constant 2147483647 : i32
    %broadcast_in_dim3A_108 = vector.broadcast %jit3A_107 : i32 to vector<64x16xi32>
    %select_n3A_109 = arith.select %eq3A_106, %concatenate3A_11, %broadcast_in_dim3A_108 : vector<64x16xi1>, vector<64x16xi32>
    %reduce_min3A_110 = vector.shape_cast %select_n3A_109 : vector<64x16xi32> to vector<1x64x16xi32>
    %reduce_min3A_111 = arith.constant dense<2147483647> : vector<1xi32>
    %reduce_min3A_112 = vector.multi_reduction <minsi>, %reduce_min3A_110, %reduce_min3A_111 [1, 2] : vector<1x64x16xi32> to vector<1xi32>
    %reduce_min3A_113 = vector.shape_cast %reduce_min3A_112 : vector<1xi32> to vector<1x1x1xi32>
    %reduce_min3A_114 = vector.extract %reduce_min3A_113[0, 0, 0] : i32 from vector<1x1x1xi32>
    %eq3A_115 = arith.constant 3 : i32
    %eq3A_116 = vector.broadcast %eq3A_115 : i32 to vector<1x128xi32>
    %eq3A_117 = arith.cmpi eq, %iota3A, %eq3A_116 : vector<1x128xi32>
    %broadcast_in_dim3A_118 = vector.broadcast %reduce_max3A_104 : f32 to vector<1x128xf32>
    %select_n3A_119 = arith.select %eq3A_117, %broadcast_in_dim3A_118, %select_n3A_89 : vector<1x128xi1>, vector<1x128xf32>
    %eq3A_120 = arith.constant 3 : i32
    %eq3A_121 = vector.broadcast %eq3A_120 : i32 to vector<1x128xi32>
    %eq3A_122 = arith.cmpi eq, %iota3A, %eq3A_121 : vector<1x128xi32>
    %broadcast_in_dim3A_123 = vector.broadcast %reduce_min3A_114 : i32 to vector<1x128xi32>
    %select_n3A_124 = arith.select %eq3A_122, %broadcast_in_dim3A_123, %select_n3A_94 : vector<1x128xi1>, vector<1x128xi32>
    %eq3A_125 = vector.broadcast %reduce_min3A_114 : i32 to vector<64x16xi32>
    %eq3A_126 = arith.cmpi eq, %concatenate3A_11, %eq3A_125 : vector<64x16xi32>
    %jit3A_127 = arith.constant 0xFF800000 : f32
    %broadcast_in_dim3A_128 = vector.broadcast %jit3A_127 : f32 to vector<64x16xf32>
    %select_n3A_129 = arith.select %eq3A_126, %broadcast_in_dim3A_128, %select_n3A_99 : vector<64x16xi1>, vector<64x16xf32>
    %reduce_max3A_130 = vector.shape_cast %select_n3A_129 : vector<64x16xf32> to vector<1x64x16xf32>
    %reduce_max3A_131 = arith.constant dense<0xFF800000> : vector<1xf32>
    %reduce_max3A_132 = vector.multi_reduction <maximumf>, %reduce_max3A_130, %reduce_max3A_131 [1, 2] : vector<1x64x16xf32> to vector<1xf32>
    %reduce_max3A_133 = vector.shape_cast %reduce_max3A_132 : vector<1xf32> to vector<1x1x1xf32>
    %reduce_max3A_134 = vector.extract %reduce_max3A_133[0, 0, 0] : f32 from vector<1x1x1xf32>
    %eq3A_135 = vector.broadcast %reduce_max3A_134 : f32 to vector<64x16xf32>
    %eq3A_136 = arith.cmpf oeq, %select_n3A_129, %eq3A_135 : vector<64x16xf32>
    %jit3A_137 = arith.constant 2147483647 : i32
    %broadcast_in_dim3A_138 = vector.broadcast %jit3A_137 : i32 to vector<64x16xi32>
    %select_n3A_139 = arith.select %eq3A_136, %concatenate3A_11, %broadcast_in_dim3A_138 : vector<64x16xi1>, vector<64x16xi32>
    %reduce_min3A_140 = vector.shape_cast %select_n3A_139 : vector<64x16xi32> to vector<1x64x16xi32>
    %reduce_min3A_141 = arith.constant dense<2147483647> : vector<1xi32>
    %reduce_min3A_142 = vector.multi_reduction <minsi>, %reduce_min3A_140, %reduce_min3A_141 [1, 2] : vector<1x64x16xi32> to vector<1xi32>
    %reduce_min3A_143 = vector.shape_cast %reduce_min3A_142 : vector<1xi32> to vector<1x1x1xi32>
    %reduce_min3A_144 = vector.extract %reduce_min3A_143[0, 0, 0] : i32 from vector<1x1x1xi32>
    %eq3A_145 = arith.constant 4 : i32
    %eq3A_146 = vector.broadcast %eq3A_145 : i32 to vector<1x128xi32>
    %eq3A_147 = arith.cmpi eq, %iota3A, %eq3A_146 : vector<1x128xi32>
    %broadcast_in_dim3A_148 = vector.broadcast %reduce_max3A_134 : f32 to vector<1x128xf32>
    %select_n3A_149 = arith.select %eq3A_147, %broadcast_in_dim3A_148, %select_n3A_119 : vector<1x128xi1>, vector<1x128xf32>
    %eq3A_150 = arith.constant 4 : i32
    %eq3A_151 = vector.broadcast %eq3A_150 : i32 to vector<1x128xi32>
    %eq3A_152 = arith.cmpi eq, %iota3A, %eq3A_151 : vector<1x128xi32>
    %broadcast_in_dim3A_153 = vector.broadcast %reduce_min3A_144 : i32 to vector<1x128xi32>
    %select_n3A_154 = arith.select %eq3A_152, %broadcast_in_dim3A_153, %select_n3A_124 : vector<1x128xi1>, vector<1x128xi32>
    %eq3A_155 = vector.broadcast %reduce_min3A_144 : i32 to vector<64x16xi32>
    %eq3A_156 = arith.cmpi eq, %concatenate3A_11, %eq3A_155 : vector<64x16xi32>
    %jit3A_157 = arith.constant 0xFF800000 : f32
    %broadcast_in_dim3A_158 = vector.broadcast %jit3A_157 : f32 to vector<64x16xf32>
    %select_n3A_159 = arith.select %eq3A_156, %broadcast_in_dim3A_158, %select_n3A_129 : vector<64x16xi1>, vector<64x16xf32>
    %reduce_max3A_160 = vector.shape_cast %select_n3A_159 : vector<64x16xf32> to vector<1x64x16xf32>
    %reduce_max3A_161 = arith.constant dense<0xFF800000> : vector<1xf32>
    %reduce_max3A_162 = vector.multi_reduction <maximumf>, %reduce_max3A_160, %reduce_max3A_161 [1, 2] : vector<1x64x16xf32> to vector<1xf32>
    %reduce_max3A_163 = vector.shape_cast %reduce_max3A_162 : vector<1xf32> to vector<1x1x1xf32>
    %reduce_max3A_164 = vector.extract %reduce_max3A_163[0, 0, 0] : f32 from vector<1x1x1xf32>
    %eq3A_165 = vector.broadcast %reduce_max3A_164 : f32 to vector<64x16xf32>
    %eq3A_166 = arith.cmpf oeq, %select_n3A_159, %eq3A_165 : vector<64x16xf32>
    %jit3A_167 = arith.constant 2147483647 : i32
    %broadcast_in_dim3A_168 = vector.broadcast %jit3A_167 : i32 to vector<64x16xi32>
    %select_n3A_169 = arith.select %eq3A_166, %concatenate3A_11, %broadcast_in_dim3A_168 : vector<64x16xi1>, vector<64x16xi32>
    %reduce_min3A_170 = vector.shape_cast %select_n3A_169 : vector<64x16xi32> to vector<1x64x16xi32>
    %reduce_min3A_171 = arith.constant dense<2147483647> : vector<1xi32>
    %reduce_min3A_172 = vector.multi_reduction <minsi>, %reduce_min3A_170, %reduce_min3A_171 [1, 2] : vector<1x64x16xi32> to vector<1xi32>
    %reduce_min3A_173 = vector.shape_cast %reduce_min3A_172 : vector<1xi32> to vector<1x1x1xi32>
    %reduce_min3A_174 = vector.extract %reduce_min3A_173[0, 0, 0] : i32 from vector<1x1x1xi32>
    %eq3A_175 = arith.constant 5 : i32
    %eq3A_176 = vector.broadcast %eq3A_175 : i32 to vector<1x128xi32>
    %eq3A_177 = arith.cmpi eq, %iota3A, %eq3A_176 : vector<1x128xi32>
    %broadcast_in_dim3A_178 = vector.broadcast %reduce_max3A_164 : f32 to vector<1x128xf32>
    %select_n3A_179 = arith.select %eq3A_177, %broadcast_in_dim3A_178, %select_n3A_149 : vector<1x128xi1>, vector<1x128xf32>
    %eq3A_180 = arith.constant 5 : i32
    %eq3A_181 = vector.broadcast %eq3A_180 : i32 to vector<1x128xi32>
    %eq3A_182 = arith.cmpi eq, %iota3A, %eq3A_181 : vector<1x128xi32>
    %broadcast_in_dim3A_183 = vector.broadcast %reduce_min3A_174 : i32 to vector<1x128xi32>
    %select_n3A_184 = arith.select %eq3A_182, %broadcast_in_dim3A_183, %select_n3A_154 : vector<1x128xi1>, vector<1x128xi32>
    %eq3A_185 = vector.broadcast %reduce_min3A_174 : i32 to vector<64x16xi32>
    %eq3A_186 = arith.cmpi eq, %concatenate3A_11, %eq3A_185 : vector<64x16xi32>
    %jit3A_187 = arith.constant 0xFF800000 : f32
    %broadcast_in_dim3A_188 = vector.broadcast %jit3A_187 : f32 to vector<64x16xf32>
    %select_n3A_189 = arith.select %eq3A_186, %broadcast_in_dim3A_188, %select_n3A_159 : vector<64x16xi1>, vector<64x16xf32>
    %reduce_max3A_190 = vector.shape_cast %select_n3A_189 : vector<64x16xf32> to vector<1x64x16xf32>
    %reduce_max3A_191 = arith.constant dense<0xFF800000> : vector<1xf32>
    %reduce_max3A_192 = vector.multi_reduction <maximumf>, %reduce_max3A_190, %reduce_max3A_191 [1, 2] : vector<1x64x16xf32> to vector<1xf32>
    %reduce_max3A_193 = vector.shape_cast %reduce_max3A_192 : vector<1xf32> to vector<1x1x1xf32>
    %reduce_max3A_194 = vector.extract %reduce_max3A_193[0, 0, 0] : f32 from vector<1x1x1xf32>
    %eq3A_195 = vector.broadcast %reduce_max3A_194 : f32 to vector<64x16xf32>
    %eq3A_196 = arith.cmpf oeq, %select_n3A_189, %eq3A_195 : vector<64x16xf32>
    %jit3A_197 = arith.constant 2147483647 : i32
    %broadcast_in_dim3A_198 = vector.broadcast %jit3A_197 : i32 to vector<64x16xi32>
    %select_n3A_199 = arith.select %eq3A_196, %concatenate3A_11, %broadcast_in_dim3A_198 : vector<64x16xi1>, vector<64x16xi32>
    %reduce_min3A_200 = vector.shape_cast %select_n3A_199 : vector<64x16xi32> to vector<1x64x16xi32>
    %reduce_min3A_201 = arith.constant dense<2147483647> : vector<1xi32>
    %reduce_min3A_202 = vector.multi_reduction <minsi>, %reduce_min3A_200, %reduce_min3A_201 [1, 2] : vector<1x64x16xi32> to vector<1xi32>
    %reduce_min3A_203 = vector.shape_cast %reduce_min3A_202 : vector<1xi32> to vector<1x1x1xi32>
    %reduce_min3A_204 = vector.extract %reduce_min3A_203[0, 0, 0] : i32 from vector<1x1x1xi32>
    %eq3A_205 = arith.constant 6 : i32
    %eq3A_206 = vector.broadcast %eq3A_205 : i32 to vector<1x128xi32>
    %eq3A_207 = arith.cmpi eq, %iota3A, %eq3A_206 : vector<1x128xi32>
    %broadcast_in_dim3A_208 = vector.broadcast %reduce_max3A_194 : f32 to vector<1x128xf32>
    %select_n3A_209 = arith.select %eq3A_207, %broadcast_in_dim3A_208, %select_n3A_179 : vector<1x128xi1>, vector<1x128xf32>
    %eq3A_210 = arith.constant 6 : i32
    %eq3A_211 = vector.broadcast %eq3A_210 : i32 to vector<1x128xi32>
    %eq3A_212 = arith.cmpi eq, %iota3A, %eq3A_211 : vector<1x128xi32>
    %broadcast_in_dim3A_213 = vector.broadcast %reduce_min3A_204 : i32 to vector<1x128xi32>
    %select_n3A_214 = arith.select %eq3A_212, %broadcast_in_dim3A_213, %select_n3A_184 : vector<1x128xi1>, vector<1x128xi32>
    %eq3A_215 = vector.broadcast %reduce_min3A_204 : i32 to vector<64x16xi32>
    %eq3A_216 = arith.cmpi eq, %concatenate3A_11, %eq3A_215 : vector<64x16xi32>
    %jit3A_217 = arith.constant 0xFF800000 : f32
    %broadcast_in_dim3A_218 = vector.broadcast %jit3A_217 : f32 to vector<64x16xf32>
    %select_n3A_219 = arith.select %eq3A_216, %broadcast_in_dim3A_218, %select_n3A_189 : vector<64x16xi1>, vector<64x16xf32>
    %reduce_max3A_220 = vector.shape_cast %select_n3A_219 : vector<64x16xf32> to vector<1x64x16xf32>
    %reduce_max3A_221 = arith.constant dense<0xFF800000> : vector<1xf32>
    %reduce_max3A_222 = vector.multi_reduction <maximumf>, %reduce_max3A_220, %reduce_max3A_221 [1, 2] : vector<1x64x16xf32> to vector<1xf32>
    %reduce_max3A_223 = vector.shape_cast %reduce_max3A_222 : vector<1xf32> to vector<1x1x1xf32>
    %reduce_max3A_224 = vector.extract %reduce_max3A_223[0, 0, 0] : f32 from vector<1x1x1xf32>
    %eq3A_225 = vector.broadcast %reduce_max3A_224 : f32 to vector<64x16xf32>
    %eq3A_226 = arith.cmpf oeq, %select_n3A_219, %eq3A_225 : vector<64x16xf32>
    %jit3A_227 = arith.constant 2147483647 : i32
    %broadcast_in_dim3A_228 = vector.broadcast %jit3A_227 : i32 to vector<64x16xi32>
    %select_n3A_229 = arith.select %eq3A_226, %concatenate3A_11, %broadcast_in_dim3A_228 : vector<64x16xi1>, vector<64x16xi32>
    %reduce_min3A_230 = vector.shape_cast %select_n3A_229 : vector<64x16xi32> to vector<1x64x16xi32>
    %reduce_min3A_231 = arith.constant dense<2147483647> : vector<1xi32>
    %reduce_min3A_232 = vector.multi_reduction <minsi>, %reduce_min3A_230, %reduce_min3A_231 [1, 2] : vector<1x64x16xi32> to vector<1xi32>
    %reduce_min3A_233 = vector.shape_cast %reduce_min3A_232 : vector<1xi32> to vector<1x1x1xi32>
    %reduce_min3A_234 = vector.extract %reduce_min3A_233[0, 0, 0] : i32 from vector<1x1x1xi32>
    %eq3A_235 = arith.constant 7 : i32
    %eq3A_236 = vector.broadcast %eq3A_235 : i32 to vector<1x128xi32>
    %eq3A_237 = arith.cmpi eq, %iota3A, %eq3A_236 : vector<1x128xi32>
    %broadcast_in_dim3A_238 = vector.broadcast %reduce_max3A_224 : f32 to vector<1x128xf32>
    %select_n3A_239 = arith.select %eq3A_237, %broadcast_in_dim3A_238, %select_n3A_209 : vector<1x128xi1>, vector<1x128xf32>
    %eq3A_240 = arith.constant 7 : i32
    %eq3A_241 = vector.broadcast %eq3A_240 : i32 to vector<1x128xi32>
    %eq3A_242 = arith.cmpi eq, %iota3A, %eq3A_241 : vector<1x128xi32>
    %broadcast_in_dim3A_243 = vector.broadcast %reduce_min3A_234 : i32 to vector<1x128xi32>
    %select_n3A_244 = arith.select %eq3A_242, %broadcast_in_dim3A_243, %select_n3A_214 : vector<1x128xi1>, vector<1x128xi32>
    %eq3A_245 = vector.broadcast %reduce_min3A_234 : i32 to vector<64x16xi32>
    %eq3A_246 = arith.cmpi eq, %concatenate3A_11, %eq3A_245 : vector<64x16xi32>
    %jit3A_247 = arith.constant 0xFF800000 : f32
    %broadcast_in_dim3A_248 = vector.broadcast %jit3A_247 : f32 to vector<64x16xf32>
    %select_n3A_249 = arith.select %eq3A_246, %broadcast_in_dim3A_248, %select_n3A_219 : vector<64x16xi1>, vector<64x16xf32>
    %reduce_max3A_250 = vector.shape_cast %select_n3A_249 : vector<64x16xf32> to vector<1x64x16xf32>
    %reduce_max3A_251 = arith.constant dense<0xFF800000> : vector<1xf32>
    %reduce_max3A_252 = vector.multi_reduction <maximumf>, %reduce_max3A_250, %reduce_max3A_251 [1, 2] : vector<1x64x16xf32> to vector<1xf32>
    %reduce_max3A_253 = vector.shape_cast %reduce_max3A_252 : vector<1xf32> to vector<1x1x1xf32>
    %reduce_max3A_254 = vector.extract %reduce_max3A_253[0, 0, 0] : f32 from vector<1x1x1xf32>
    %eq3A_255 = vector.broadcast %reduce_max3A_254 : f32 to vector<64x16xf32>
    %eq3A_256 = arith.cmpf oeq, %select_n3A_249, %eq3A_255 : vector<64x16xf32>
    %jit3A_257 = arith.constant 2147483647 : i32
    %broadcast_in_dim3A_258 = vector.broadcast %jit3A_257 : i32 to vector<64x16xi32>
    %select_n3A_259 = arith.select %eq3A_256, %concatenate3A_11, %broadcast_in_dim3A_258 : vector<64x16xi1>, vector<64x16xi32>
    %reduce_min3A_260 = vector.shape_cast %select_n3A_259 : vector<64x16xi32> to vector<1x64x16xi32>
    %reduce_min3A_261 = arith.constant dense<2147483647> : vector<1xi32>
    %reduce_min3A_262 = vector.multi_reduction <minsi>, %reduce_min3A_260, %reduce_min3A_261 [1, 2] : vector<1x64x16xi32> to vector<1xi32>
    %reduce_min3A_263 = vector.shape_cast %reduce_min3A_262 : vector<1xi32> to vector<1x1x1xi32>
    %reduce_min3A_264 = vector.extract %reduce_min3A_263[0, 0, 0] : i32 from vector<1x1x1xi32>
    %eq3A_265 = arith.constant 8 : i32
    %eq3A_266 = vector.broadcast %eq3A_265 : i32 to vector<1x128xi32>
    %eq3A_267 = arith.cmpi eq, %iota3A, %eq3A_266 : vector<1x128xi32>
    %broadcast_in_dim3A_268 = vector.broadcast %reduce_max3A_254 : f32 to vector<1x128xf32>
    %select_n3A_269 = arith.select %eq3A_267, %broadcast_in_dim3A_268, %select_n3A_239 : vector<1x128xi1>, vector<1x128xf32>
    %eq3A_270 = arith.constant 8 : i32
    %eq3A_271 = vector.broadcast %eq3A_270 : i32 to vector<1x128xi32>
    %eq3A_272 = arith.cmpi eq, %iota3A, %eq3A_271 : vector<1x128xi32>
    %broadcast_in_dim3A_273 = vector.broadcast %reduce_min3A_264 : i32 to vector<1x128xi32>
    %select_n3A_274 = arith.select %eq3A_272, %broadcast_in_dim3A_273, %select_n3A_244 : vector<1x128xi1>, vector<1x128xi32>
    %eq3A_275 = vector.broadcast %reduce_min3A_264 : i32 to vector<64x16xi32>
    %eq3A_276 = arith.cmpi eq, %concatenate3A_11, %eq3A_275 : vector<64x16xi32>
    %jit3A_277 = arith.constant 0xFF800000 : f32
    %broadcast_in_dim3A_278 = vector.broadcast %jit3A_277 : f32 to vector<64x16xf32>
    %select_n3A_279 = arith.select %eq3A_276, %broadcast_in_dim3A_278, %select_n3A_249 : vector<64x16xi1>, vector<64x16xf32>
    %reduce_max3A_280 = vector.shape_cast %select_n3A_279 : vector<64x16xf32> to vector<1x64x16xf32>
    %reduce_max3A_281 = arith.constant dense<0xFF800000> : vector<1xf32>
    %reduce_max3A_282 = vector.multi_reduction <maximumf>, %reduce_max3A_280, %reduce_max3A_281 [1, 2] : vector<1x64x16xf32> to vector<1xf32>
    %reduce_max3A_283 = vector.shape_cast %reduce_max3A_282 : vector<1xf32> to vector<1x1x1xf32>
    %reduce_max3A_284 = vector.extract %reduce_max3A_283[0, 0, 0] : f32 from vector<1x1x1xf32>
    %eq3A_285 = vector.broadcast %reduce_max3A_284 : f32 to vector<64x16xf32>
    %eq3A_286 = arith.cmpf oeq, %select_n3A_279, %eq3A_285 : vector<64x16xf32>
    %jit3A_287 = arith.constant 2147483647 : i32
    %broadcast_in_dim3A_288 = vector.broadcast %jit3A_287 : i32 to vector<64x16xi32>
    %select_n3A_289 = arith.select %eq3A_286, %concatenate3A_11, %broadcast_in_dim3A_288 : vector<64x16xi1>, vector<64x16xi32>
    %reduce_min3A_290 = vector.shape_cast %select_n3A_289 : vector<64x16xi32> to vector<1x64x16xi32>
    %reduce_min3A_291 = arith.constant dense<2147483647> : vector<1xi32>
    %reduce_min3A_292 = vector.multi_reduction <minsi>, %reduce_min3A_290, %reduce_min3A_291 [1, 2] : vector<1x64x16xi32> to vector<1xi32>
    %reduce_min3A_293 = vector.shape_cast %reduce_min3A_292 : vector<1xi32> to vector<1x1x1xi32>
    %reduce_min3A_294 = vector.extract %reduce_min3A_293[0, 0, 0] : i32 from vector<1x1x1xi32>
    %eq3A_295 = arith.constant 9 : i32
    %eq3A_296 = vector.broadcast %eq3A_295 : i32 to vector<1x128xi32>
    %eq3A_297 = arith.cmpi eq, %iota3A, %eq3A_296 : vector<1x128xi32>
    %broadcast_in_dim3A_298 = vector.broadcast %reduce_max3A_284 : f32 to vector<1x128xf32>
    %select_n3A_299 = arith.select %eq3A_297, %broadcast_in_dim3A_298, %select_n3A_269 : vector<1x128xi1>, vector<1x128xf32>
    %eq3A_300 = arith.constant 9 : i32
    %eq3A_301 = vector.broadcast %eq3A_300 : i32 to vector<1x128xi32>
    %eq3A_302 = arith.cmpi eq, %iota3A, %eq3A_301 : vector<1x128xi32>
    %broadcast_in_dim3A_303 = vector.broadcast %reduce_min3A_294 : i32 to vector<1x128xi32>
    %select_n3A_304 = arith.select %eq3A_302, %broadcast_in_dim3A_303, %select_n3A_274 : vector<1x128xi1>, vector<1x128xi32>
    %swap3A = arith.constant 0 : index
    %swap3A_305 = arith.constant 0 : index
    %swap3A_306 = vector.load %arg4[%swap3A, %swap3A_305] : memref<1x128xf32, #tpu.memory_space<vmem>>, vector<1x128xf32>
    tpu.vector_store %arg4[%swap3A, %swap3A_305], %select_n3A_299 {strides = array<i32>} : memref<1x128xf32, #tpu.memory_space<vmem>>, vector<1x128xf32>,
    %swap3A_307 = arith.constant 0 : index
    %swap3A_308 = arith.constant 0 : index
    %swap3A_309 = vector.load %arg5[%swap3A_307, %swap3A_308] : memref<1x128xi32, #tpu.memory_space<vmem>>, vector<1x128xi32>
    tpu.vector_store %arg5[%swap3A_307, %swap3A_308], %select_n3A_304 {strides = array<i32>} : memref<1x128xi32, #tpu.memory_space<vmem>>, vector<1x128xi32>,
    return
  }
}

</mosaic_0001>

<sc_bundles>
// kernel: kernel.5.cloned.1.call-start
scs
__scs_entry_jumppad:
0x0: {  	(pc) =	sbr.rel $0x88, $3  }
0x1: {  	(tag) =	ssettag $0x0;
	lr =	simm.s32 $0x1  }
0x2: {  	[smem:$0x3F9E] =	sst lr;
	_ =	strace $0xD0000000  }
0x3: {  	_ = 	snop  }
0x4: {  	_ = 	snop  }
0x5: {  	_ = 	snop  }
0x6: {  	_ = 	snop  }
0x7: {  	_ = 	snop  }
__scs_overlays_trampoline_lowered:
0x8: {  	[smem:$0x3FAD] =	sst s0  }
0x9: {  	[smem:$0x3FAE] =	sst s1  }
0xa: {  	[smem:$0x3FAF] =	sst s2  }
0xb: {  	[smem:$0x3FB0] =	sst s3  }
0xc: {  	[smem:$0x3FB1] =	sst s4  }
0xd: {  	[smem:$0x3FB2] =	sst s5  }
0xe: {  	[smem:$0x3FB3] =	sst s6  }
0xf: {  	[smem:$0x3FB4] =	sst s7  }
0x10: {  	[smem:$0x3FB5] =	sst s8  }
0x11: {  	[smem:$0x3FB6] =	sst s9;
	s0 =	simm.s32 @!p0 $0x0  }
0x12: {  	s1 =	sld [smem:$0x3F9C];
	s0 =	simm.s32 @p0 $0x1  }
0x13: {  	[smem:$0x3FB7] =	sst s0;
	s0 =	simm.s32 @!p1 $0x0  }
0x14: {  	s2 =	sld [smem:$0x3F9B];
	s0 =	simm.s32 @p1 $0x1  }
0x15: {  	[smem:$0x3FB8] =	sst s0;
	s0 =	simm.s32 @!p2 $0x0  }
0x16: {  	s3 =	sld [smem:$0x3FDB];
	s0 =	simm.s32 @p2 $0x1  }
0x17: {  	s4 =	simm.s32 $0x1BF5;
	[smem:$0x3FBA] =	sst s0  }
0x18: {  	s0 =	sld [smem:$0x3F9D];
	_ =	swait.ge [sflag:s4], $0x0  }
0x19: {  	s7 =	sld [smem:$0x3F9E]  }
0x1a: {  	s8 =	sadd.s32 $0xFFFFE003, lr  }
0x1b: {  	s9 =	sadd.s32 $0xFFFFFEF7, lr;
	s5 =	simm.s32 $0xFFFFFFFF;
	p2 =	slt.u32 s8, $0xFFFFF086  }
0x1c: {  	p1 =	slt.u32 s9, $0xF7A;
	s5 =	simm.s32 @!p2 $0x0  }
0x1d: {  	s5 =	simm.s32 @p1 $0x1;
	p0 =	seq.s32 s7, s2  }
0x1e: {  	s7 =	smul.u32 @!p0 $0xF7A, s2;
	p2 =	seq.s32 @!p0 s5, $0x0  }
0x1f: {  	s9 =	smul.u32 $0xF7A, s1;
	s8 =	simm.s32 @!p0 $0x1BF5;
	p2 =	por !p2, p0  }
0x20: {  	[sflag:s8] =	ssyncset.s32 @!p0 $0xFFFFF086;
	s6 =	sadd.s32 @!p0 s3, s7;
	s7 =	simm.s32 @!p0 $0x108  }
0x21: {  	s3 =	sadd.s32 s3, s9;
	s6 =	sadd.s32 @!p0 $0x88, s6;
	s7 =	simm.s32 @p2 $0x1082  }
0x22: {  	[simem:s7], [sflag:s8] =	dma.local @!p0 [hbm:s6], $0xF7A  }
0x23: {  	s9 =	sor.u32 $0xD0000000, s2;
	s6 =	simm.s32 $0x108;
	_ =	swait.ge @!p0 [sflag:s8], $0x0  }
0x24: {  	s3 =	sadd.s32 $0x88, s3;
	s6 =	simm.s32 @!p1 $0x1082;
	[sflag:s4] =	ssyncset.s32 $0xFFFFF086  }
0x25: {  	[simem:s6], [sflag:s4] =	dma.local [hbm:s3], $0xF7A  }
0x26: {  	[smem:$0x3F9E] =	sst s1;
	(tag) =	ssettag s2;
	_ =	strace s9  }
0x27: {  	s1 =	sld [smem:$0x3FAE]  }
0x28: {  	s2 =	sld [smem:$0x3FAF]  }
0x29: {  	s4 =	sld [smem:$0x3FB1]  }
0x2a: {  	p0 =	seq.s32 s5, $0x0;
	s5 =	sld [smem:$0x3FB2]  }
0x2b: {  	s6 =	sld [smem:$0x3FB3]  }
0x2c: {  	s7 =	sld [smem:$0x3FB4]  }
0x2d: {  	s3 =	simm.s32 $0x108;
	s8 =	sld [smem:$0x3FB5]  }
0x2e: {  	s3 =	simm.s32 @!p0 $0x1082;
	s9 =	sld [smem:$0x3FB6]  }
0x2f: {  	lr =	sadd.s32 s0, s3;
	s0 =	sld [smem:$0x3FAD]  }
0x30: {  	s3 =	sld [smem:$0x3FB0]  }
0x31: {  	[smem:$0x3FB9] =	sst s10  }
0x32: {  	s10 =	sld [smem:$0x3FB7];
	_ =	sdelay $0x3  }
0x33: {  	p0 =	seq.s32 s10, $0x1;
	s10 =	sld [smem:$0x3FB9];
	_ =	sdelay $0x3  }
0x34: {  	[smem:$0x3FB9] =	sst s10  }
0x35: {  	s10 =	sld [smem:$0x3FB8];
	_ =	sdelay $0x3  }
0x36: {  	p1 =	seq.s32 s10, $0x1;
	s10 =	sld [smem:$0x3FB9];
	_ =	sdelay $0x3  }
0x37: {  	[smem:$0x3FB9] =	sst s10  }
0x38: {  	s10 =	sld [smem:$0x3FBA]  }
0x39: {  	_ = 	snop;
	(pc) =	sbr.ind lr, $3  }
0x3a: {  	_ = 	snop  }
0x3b: {  	_ = 	snop  }
0x3c: {  	p2 =	seq.s32 s10, $0x1;
	s10 =	sld [smem:$0x3FB9]  }
0x3d: {  	_ =	shalt  }
0x3e: {  	_ =	shalt  }
0x3f: {  	_ =	shalt  }
0x40: {  	_ =	shalt  }
0x41: {  	_ =	shalt  }
0x42: {  	_ =	shalt  }
0x43: {  	_ =	shalt  }
0x44: {  	_ =	shalt  }
0x45: {  	_ =	shalt  }
0x46: {  	_ =	shalt  }
0x47: {  	_ =	shalt  }
0x48: {  	_ =	shalt  }
0x49: {  	_ =	shalt  }
0x4a: {  	_ =	shalt  }
0x4b: {  	_ =	shalt  }
0x4c: {  	_ =	shalt  }
0x4d: {  	_ =	shalt  }
0x4e: {  	_ =	shalt  }
0x4f: {  	_ =	shalt  }
0x50: {  	_ =	shalt  }
0x51: {  	_ =	shalt  }
0x52: {  	_ =	shalt  }
0x53: {  	_ =	shalt  }
0x54: {  	_ =	shalt  }
0x55: {  	_ =	shalt  }
0x56: {  	_ =	shalt  }
0x57: {  	_ =	shalt  }
0x58: {  	_ =	shalt  }
0x59: {  	_ =	shalt  }
0x5a: {  	_ =	shalt  }
0x5b: {  	_ =	shalt  }
0x5c: {  	_ =	shalt  }
0x5d: {  	_ =	shalt  }
0x5e: {  	_ =	shalt  }
0x5f: {  	_ =	shalt  }
0x60: {  	_ =	shalt  }
0x61: {  	_ =	shalt  }
0x62: {  	_ =	shalt  }
0x63: {  	_ =	shalt  }
0x64: {  	_ =	shalt  }
0x65: {  	_ =	shalt  }
0x66: {  	_ =	shalt  }
0x67: {  	_ =	shalt  }
0x68: {  	_ =	shalt  }
0x69: {  	_ =	shalt  }
0x6a: {  	_ =	shalt  }
0x6b: {  	_ =	shalt  }
0x6c: {  	_ =	shalt  }
0x6d: {  	_ =	shalt  }
0x6e: {  	_ =	shalt  }
0x6f: {  	_ =	shalt  }
0x70: {  	_ =	shalt  }
0x71: {  	_ =	shalt  }
0x72: {  	_ =	shalt  }
0x73: {  	_ =	shalt  }
0x74: {  	_ =	shalt  }
0x75: {  	_ =	shalt  }
0x76: {  	_ =	shalt  }
0x77: {  	_ =	shalt  }
0x78: {  	_ =	shalt  }
0x79: {  	_ =	shalt  }
0x7a: {  	_ =	shalt  }
0x7b: {  	_ =	shalt  }
0x7c: {  	_ =	shalt  }
0x7d: {  	_ =	shalt  }
0x7e: {  	_ =	shalt  }
0x7f: {  	_ =	shalt  }
0x80: {  	_ =	shalt  }
0x81: {  	_ =	shalt  }
0x82: {  	_ =	shalt  }
0x83: {  	_ =	shalt  }
0x84: {  	_ =	shalt  }
0x85: {  	_ =	shalt  }
0x86: {  	_ =	shalt  }
0x87: {  	_ =	shalt  }
.Lfunc_end0:
.L_simem_size_0:
called_computation_lowered:
.L_overlay_start_0:
0x88: {  	s2 =	sld [smem:$0x3FD9]  }
0x89: {  	s3 =	sld [smem:$0x3FFE];
	_ =	sdelay $0x1  }
0x8a: {  	s1 =	srdreg.scid  }
0x8b: {  	s0 =	sand.u32 $0x1, s1  }
0x8c: {  	s16 =	sshll.u32 s0, $0xA;
	s2 =	sadd.s32 s3, s2  }
0x8d: {  	s2 =	sadd.s32 s2, s16  }
0x8e: {  	[smem:$0x3FC5] =	sst s2  }
0x8f: {  	_ = 	snop  }
0x90: {  	(tm) =	ssettm $0x1  }
0x91: {  	s17 =	sld [smem:$0x3FFB];
	_ =	sdelay $0x3  }
0x92: {  	_ =	strace s17  }
0x93: {  	s2 =	sld [smem:$0x3FFC];
	_ =	sdelay $0x3  }
0x94: {  	_ =	strace s2  }
0x95: {  	s2 =	sld [smem:$0x3FFD];
	_ =	sdelay $0x3  }
0x96: {  	_ =	strace s2  }
0x97: {  	_ =	strace $0x8FFFFFFF  }
0x98: {  	s18 =	sld [smem:$0x3FDB];
	_ =	sdelay $0x1  }
0x99: {  	s19 =	simm.s32 $_scs_section_size  }
0x9a: {  	s4 =	simm.s32 $_size__tile_overlayer_lowered;
	s5 =	simm.s32 $_tile_overlayer_lowered  }
0x9b: {  	s22 =	simm.s32 $0x1BFF;
	s21 =	sshll.u32 s5, $0x1;
	s2 =	sadd.s32 s19, s18  }
0x9c: {  	s6 =	simm.s32 $0x0;
	s20 =	sshll.u32 s4, $0x1;
	s4 =	sadd.s32 s21, s2  }
0x9d: {  	[timem:s6], [sflag:s22] =	dma.local [hbm:s4], s20  }
0x9e: {  	_ =	swait.ge [sflag:s22], s20  }
0x9f: {  	s3 =	ssub.s32 $0x0, s20;
	[sflag:s22] =	ssyncset.done $0x0  }
0xa0: {  	[sflag:s22] =	ssyncadd.s32 s3;
	_ =	sdelay $0x1  }
0xa1: {  	s23 =	simm.s32 $0x1B8B  }
0xa2: {  	_ =	swait.ge [sflag:s23], $0x1  }
0xa3: {  	[sflag:s23] =	ssyncset.done $0x0  }
0xa4: {  	s25 =	simm.s32 $0x1B8E;
	s24 =	sld [smem:$0x3FFE];
	[sflag:s23] =	ssyncadd.s32 $0xFFFFFFFF  }
0xa5: {  	s26 =	simm.s32 $execute0_lowered;
	[smem:$0x3FD2] =	sst s25  }
0xa6: {  	s4 =	sshll.u32 s26, $0x1;
	_ =	strace $0x80000046;
	[dreg:$0x1] =	wrdreg $0xFFFFFFFF  }
0xa7: {  	s28 =	simm.s32 $_size_execute0_lowered;
	s2 =	sadd.s32 s2, s4;
	[dreg:$0x0] =	wrdreg $0x0  }
0xa8: {  	s4 =	sshll.u32 s28, $0x1;
	[dreg:$0x2] =	wrdreg s2  }
0xa9: {  	[dreg:$0x3] =	wrdreg s4  }
0xaa: {  	[dreg:$0x4] =	wrdreg $0xC0  }
0xab: {  	_ =	task [dreg:s6], $0x5FFFF  }
0xac: {  	[dreg:$0x1] =	wrdreg $0xFFFFFFFF  }
0xad: {  	[dreg:$0x0] =	wrdreg $0x60  }
0xae: {  	[dreg:$0x2] =	wrdreg s24  }
0xaf: {  	[dreg:$0x3] =	wrdreg $0x9  }
0xb0: {  	_ =	task.clear_ibuf [dreg:s6], $0x4FFFF;
	_ =	strace $0x90000046  }
0xb1: {  	s29 =	simm.s32 $0x9;
	_ =	strace $0x80000048  }
0xb2: {  	_ =	swait.ge [sflag:s29], $0x1  }
0xb3: {  	[sflag:s29] =	ssyncadd.s32 $0xFFFFFFFF  }
0xb4: {  	_ =	strace $0x90000048  }
0xb5: {  	_ =	sfence  }
0xb6: {  	s30 =	sld [smem:$0x0];
	_ =	sdelay $0x2  }
0xb7: {  	s31 =	sshll.u32 s1, $0xD;
	s1 =	sshrl.u32 s1, $0x2  }
0xb8: {  	s3 =	sand.u32 $0x4000, s31;
	s1 =	sadd.s32 s1, s30  }
0xb9: {  	s0 =	sor.u32 s3, s0;
	s1 =	sshll.u32 s1, $0x11  }
0xba: {  	s0 =	sor.u32 s1, s0  }
0xbb: {  	s0 =	sadd.s32 $0x8F2B, s0  }
0xbc: {  	[sflag:s0] =	ssyncadd.remote.s32 $0x1  }
0xbd: {  	_ =	sfence.sel $0xFFFF  }
0xbe: {  	[dreg:$0x0] =	wrdreg $0xFFFFFFFF;
	(pc) =	sbr.abs _section_cstart, $3  }
0xbf: {  	[dreg:$0x1] =	wrdreg $0xFFFFFFFF  }
0xc0: {  	_ =	task.clear_ibuf [dreg:s6], $0x2FFFF;
	_ =	strace $0x9FFFFFFF  }
0xc1: {  	(tm) =	ssettm $0x7FFFFFFF  }
tec
execute0_lowered:
.L_overlay_start_1:
0x0: {  	(tag) =	ssettag $0x1  }
0x1: {  	s1 =	srdreg.scid;
	s0 =	stileid.u32  }
0x2: {  	s4 =	rddreg [dreg:$0x0];
	s2 =	simm.s32 $0x0;
	s13 =	simm.s32 $0x700  }
0x3: {  	s14 =	simm.s32 $0x780;
	s15 =	simm.s32 $0x800;
	s16 =	simm.s32 $0x0  }
0x4: {  	s6 =	sand.u32 $0x1, s1;
	s3 =	sshll.u32 s0, $0x1;
	s1 =	rddreg [dreg:$0x1]  }
0x5: {  	[smem:$0x7FF] =	sst s2;
	s10 =	smul.u32 $0xC40, s0;
	s11 =	sor.u32 s6, s3  }
0x6: {  	_ =	strace $0x80000047;
	s7 =	ssub.s32 $0x2, s6;
	s12 =	smul.u32 $0x620, s6  }
0x7: {  	s3 =	smul.u32 $0x620, s11;
	s5 =	sshll.u32 s11, $0x4;
	s31 =	sshrl.u32 s7, $0x1  }
0x8: {  	p0 =	seq.s32 s11, $0x1F;
	s11 =	simm.s32 $0x680;
	s8 =	sadd.s32 s5, s4  }
0x9: {  	s9 =	ssub.s32 s7, s31;
	s10 =	sadd.s32 s12, s10;
	s12 =	simm.s32 $0x1  }
0xa: {  	s3 =	sshrl.u32 s3, $0x3;
	s5 =	sadd.s32 $0x2C00, s8;
	s6 =	sadd.s32 $0x2E00, s8  }
0xb: {  	s7 =	sadd.s32 $0x3000, s8;
	s8 =	sadd.s32 $0x3200, s8;
	s3 =	sadd.s32 s3, s4  }
0xc: {  	v0 =	vlaneseq.u32;
	s9 =	smax.u32 s9, $0x1;
	s4 =	sadd.s32 $0x29BC, s4;
	s3 =	sadd.s32 $0x1200, s3  }
.LBB2_1:
0xd: {  	s17 =	simm.s32 @p0 $0x0  }
0xe: {  	[tilespmem:s17], [sflag:$0x1] =	stream.linear.gather @p0 [hbm4b:s4+s17], $0x570, $0x38;
	[tilespmem:$0x880] =	vst v63  }
0xf: {  	s17 =	simm.s32 @p0 $0x1  }
0x10: {  	_ =	swait.ge @p0 [sflag:s17], $0x570  }
0x11: {  	[sflag:s17] =	ssyncset.done @p0 $0x0  }
0x12: {  	[sflag:s17] =	ssyncadd.s32 @p0 $0xFFFFFA90;
	s17 =	simm.s32 @!p0 $0x0  }
0x13: {  	[tilespmem:s17], [sflag:$0x1] =	stream.linear.gather @!p0 [hbm4b:s3+s17], $0x620, $0x38;
	[tilespmem:$0x880] =	vst v63  }
0x14: {  	s17 =	simm.s32 @!p0 $0x1  }
0x15: {  	_ =	swait.ge @!p0 [sflag:s17], $0x620  }
0x16: {  	[sflag:s17] =	ssyncset.done @!p0 $0x0  }
0x17: {  	[sflag:s17] =	ssyncadd.s32 @!p0 $0xFFFFF9E0;
	s17 =	simm.s32 @!p0 $0x62  }
0x18: {  	s17 =	simm.s32 @p0 $0x57  }
0x19: {  	v5 =	vld [tilespmem:s2+$0x0];
	p1 =	sne.s32 s17, $0x1  }
.Ltmp0:
0x1a: {  	_ = 	snop;
	(pc) =	sbr.rel @!p1 .LBB2_3-.Ltmp0, $3  }
0x1b: {  	_ =	sdelay $0x1  }
0x1c: {  	v1 =	vimm.f32 $-Inf;
	v2 =	vimm.s32 $0x0;
	v4 =	vor.u32 s10, v0  }
0x1d: {  	s18 =	simm.s32 $0x10;
	v6 =	vimm.f32 $-Inf;
	v3 =	vimm.s32 $0x0;
	s19 =	smov.u32 s10;
	s17 =	sadd.s32 $0xFFFFFFFF, s17;
	vm0 =	vgt.f32 v5, v1  }
.LBB2_2:
0x1e: {  	v7 =	vld [tilespmem:s18+$0x0];
	p1 =	sne.s32 s17, $0x1;
	s17 =	sadd.s32 $0xFFFFFFFF, s17;
	vm1 =	vgt.f32 v5, v1;
	v6 =	vsel vm0, v5, v6;
	v2 =	vsel vm0, v4, v2  }
.Ltmp1:
0x1f: {  	v6 =	vsel vm1, v1, v6;
	v2 =	vsel vm1, v3, v2;
	v1 =	vsel vm1, v5, v1;
	(pc) =	sbr.rel @p1 .LBB2_2-.Ltmp1, $3  }
0x20: {  	v3 =	vsel vm1, v4, v3;
	_ =	sdelay $0x1  }
0x21: {  	s19 =	sadd.s32 $0x10, s19  }
0x22: {  	s18 =	sadd.s32 $0x10, s18;
	v4 =	vor.u32 s19, v0;
	vm0 =	vgt.f32 v7, v6;
	v5 =	vmov v7  }
.LBB2_3:
0x23: {  	vm1 =	vgt.f32 v5, v1  }
0x24: {  	v7 =	vsel vm1, v5, v1  }
0x25: {  	v62 =	vsel vm0, v5, v6;
	v63 =	vsel vm1, v4, v3;
	[tilespmem:$0x680] =	vst v7  }
0x26: {  	v2 =	vsel vm0, v4, v2;
	v1 =	vsel vm1, v1, v62;
	[tilespmem:$0x700] =	vst v63  }
0x27: {  	v2 =	vsel vm1, v3, v2;
	[tilespmem:$0x780] =	vst v1  }
0x28: {  	[tilespmem:$0x800] =	vst v2  }
0x29: {  	[hbm4b:s5+s2] =	stream.linear.scatter [tilespmem:s11], [sflag:$0x1], $0x80, $0x38;
	[tilespmem:$0x880] =	vst v63  }
0x2a: {  	_ =	swait.ge [sflag:s12], $0x80  }
0x2b: {  	[sflag:s12] =	ssyncset.done $0x0  }
0x2c: {  	[sflag:s12] =	ssyncadd.s32 $0xFFFFFF80  }
0x2d: {  	[hbm4b:s6+s2] =	stream.linear.scatter [tilespmem:s13], [sflag:$0x1], $0x80, $0x38;
	[tilespmem:$0x880] =	vst v63  }
0x2e: {  	_ =	swait.ge [sflag:s12], $0x80  }
0x2f: {  	[sflag:s12] =	ssyncset.done $0x0  }
0x30: {  	[sflag:s12] =	ssyncadd.s32 $0xFFFFFF80  }
0x31: {  	[hbm4b:s7+s2] =	stream.linear.scatter [tilespmem:s14], [sflag:$0x1], $0x80, $0x38;
	[tilespmem:$0x880] =	vst v63  }
0x32: {  	s16 =	sadd.s32 $0x1, s16;
	_ =	swait.ge [sflag:s12], $0x80  }
0x33: {  	p1 =	sne.s32 s16, s9;
	[sflag:s12] =	ssyncset.done $0x0  }
.Ltmp2:
0x34: {  	[sflag:s12] =	ssyncadd.s32 $0xFFFFFF80;
	(pc) =	sbr.rel @p1 .LBB2_1-.Ltmp2, $4  }
0x35: {  	[hbm4b:s8+s2] =	stream.linear.scatter [tilespmem:s15], [sflag:$0x1], $0x80, $0x38;
	[tilespmem:$0x880] =	vst v63  }
0x36: {  	_ =	swait.ge [sflag:s12], $0x80  }
0x37: {  	[sflag:s12] =	ssyncset.done $0x0  }
0x38: {  	[sflag:s12] =	ssyncadd.s32 $0xFFFFFF80  }
0x39: {  	_ =	sfence.sel $0x180000  }
0x3a: {  	[bflag:$0x0] =	sbarrier.arrive $0xFFFF  }
0x3b: {  	p0 =	sne.s32 s0, $0x0;
	_ =	strace $0x90000047  }
0x3c: {  	s0 =	sadd.s32 @!p0 $0x100000, s1;
	[bflag:$0x2] =	sbarrier.arrive $0xFFFF  }
0x3d: {  	[sflag:s0] =	ssyncadd.tile.s32 @!p0 $0x1;
	_ =	shalt  }
.Lfunc_end2:
_tile_overlayer_lowered:
.L_overlay_start_2:
0x3e: {  	(tag) =	ssettag $0x2  }
0x3f: {  	s0 =	rddreg [dreg:$0x0];
	s2 =	stileid.u32  }
0x40: {  	s1 =	rddreg [dreg:$0x1];
	p0 =	sne.s32 s2, $0x0  }
0x41: {  	s3 =	rddreg [dreg:$0x2];
	[bflag:$0x3] =	sbarrier.arrive $0xFFFF;
	s2 =	simm.s32 @!p0 $0x1C01  }
0x42: {  	[timem:s3], [sflag:s2] =	dma.local @!p0 [hbm:s0], s1  }
0x43: {  	s0 =	simm.s32 @!p0 $0x1  }
0x44: {  	_ =	swait.ge @!p0 [sflag:s0], s1  }
0x45: {  	s1 =	ssub.s32 @!p0 $0x0, s1;
	[sflag:s0] =	ssyncset.done @!p0 $0x0  }
0x46: {  	[sflag:s0] =	ssyncadd.s32 @!p0 s1  }
0x47: {  	[bflag:$0x3] =	sbarrier.arrive $0xFFFF  }
0x48: {  	_ =	shalt  }

</sc_bundles>
